<compile_context>
chip_gen: v7x
topology: tpu7x:2x2x1
jax: 0.10.2.dev20260603
libtpu: 0.0.44.dev20260713+nightly
codegen_flags: <defaults>
</compile_context>

<pallas_src>
import functools

import jax
import jax.numpy as jnp
import numpy as np
from jax import lax
from jax.experimental import pallas as pl
from jax.experimental.pallas import tpu as pltpu
from jax.experimental.pallas import tpu_sc as plsc

EPS = 1e-07
NT = 200
N_TOTAL = 4194304
NC, NS, LANES = 2, 16, 16
NW = NC * NS
EPT = N_TOTAL // NW
CH = 16384
NCHUNK = EPT // CH
BINS = 512
ACCN = LANES * BINS


def _thr_table():
    thr = [(i + 1) * 1.0 / (NT - 1) for i in range(NT - 2)]
    thr = [0.0 - EPS] + thr + [1.0 + EPS] + [2.0] * 8
    return jnp.asarray(np.repeat(np.asarray(thr, np.float32), LANES))


def _sc_hist(preds, targets, thr):
    mesh = plsc.VectorSubcoreMesh(core_axis_name="c", subcore_axis_name="s")

    @functools.partial(
        pl.kernel,
        out_type=jax.ShapeDtypeStruct((NW, ACCN), jnp.float32),
        mesh=mesh,
        compiler_params=pltpu.CompilerParams(needs_layout_passes=False),
        scratch_types=[
            pltpu.VMEM((CH,), jnp.float32),
            pltpu.VMEM((CH,), jnp.float32),
            pltpu.VMEM((CH,), jnp.float32),
            pltpu.VMEM((CH,), jnp.float32),
            pltpu.VMEM((208 * LANES,), jnp.float32),
            pltpu.VMEM((ACCN,), jnp.float32),
            pltpu.SemaphoreType.DMA,
            pltpu.SemaphoreType.DMA,
            pltpu.SemaphoreType.DMA,
            pltpu.SemaphoreType.DMA,
        ],
    )
    def k(preds_hbm, targets_hbm, thr_hbm, out_hbm,
          pbuf0, tbuf0, pbuf1, tbuf1, thrv, acc, sp0, st0, sp1, st1):
        wid = lax.axis_index("s") * NC + lax.axis_index("c")
        base = wid * EPT

        def start_even(c):
            off = base + c * CH
            pltpu.async_copy(preds_hbm.at[pl.ds(off, CH)], pbuf0, sp0)
            pltpu.async_copy(targets_hbm.at[pl.ds(off, CH)], tbuf0, st0)

        def start_odd(c):
            off = base + c * CH
            pltpu.async_copy(preds_hbm.at[pl.ds(off, CH)], pbuf1, sp1)
            pltpu.async_copy(targets_hbm.at[pl.ds(off, CH)], tbuf1, st1)

        start_even(0)
        pltpu.sync_copy(thr_hbm, thrv)

        zeros16 = jnp.zeros((LANES,), jnp.float32)

        @plsc.parallel_loop(0, ACCN, step=LANES, unroll=4)
        def _zero(i):
            acc[pl.ds(i, LANES)] = zeros16

        ones16 = jnp.full((LANES,), 1.0, jnp.float32)
        lane_iota = lax.iota(jnp.int32, 16)
        magic = jnp.float32(12582912.0)
        gbase = lane_iota + jnp.full((LANES,), 1275068416, jnp.int32)

        def process(pb, tb):
            @plsc.parallel_loop(0, CH, step=LANES, unroll=4)
            def _body(i):
                s = pl.ds(i, LANES)
                p = pb[s]
                v = p * 199.0 + magic
                gidx = (plsc.bitcast(v, jnp.int32) << 4) + gbase
                tv = plsc.load_gather(thrv, [gidx])
                t = tb[s]
                idx = (gidx
                       + jnp.where(tv < p, 16, 0)
                       + jnp.where(t == 1.0, 4096, 0))
                plsc.addupdate_scatter(acc, [idx], ones16)

        @pl.loop(0, NCHUNK, step=2)
        def _chunks(c):
            start_odd(c + 1)
            pltpu.make_async_copy(preds_hbm.at[pl.ds(0, CH)], pbuf0, sp0).wait()
            pltpu.make_async_copy(targets_hbm.at[pl.ds(0, CH)], tbuf0, st0).wait()
            process(pbuf0, tbuf0)

            @pl.when(c + 2 < NCHUNK)
            def _():
                start_even(c + 2)

            pltpu.make_async_copy(preds_hbm.at[pl.ds(0, CH)], pbuf1, sp1).wait()
            pltpu.make_async_copy(targets_hbm.at[pl.ds(0, CH)], tbuf1, st1).wait()
            process(pbuf1, tbuf1)

        pltpu.sync_copy(acc, out_hbm.at[wid])

    return k(preds, targets, thr)


def _tc_auc(partials):
    def body(h_ref, o_ref):
        dot = functools.partial(lax.dot, precision=lax.Precision.HIGHEST)
        x = h_ref[...]
        s1 = dot(jnp.ones((1, NW), jnp.float32), x)
        ki = lax.broadcasted_iota(jnp.int32, (1024, 64), 0) // 16
        kj = lax.broadcasted_iota(jnp.int32, (1024, 64), 1)
        k64 = (ki == kj).astype(jnp.float32)
        h_all = jnp.concatenate(
            [dot(s1[:, b * 1024:(b + 1) * 1024], k64) for b in range(8)],
            axis=1)
        h_nt = h_all[:, 0:256]
        h_t = h_all[:, 256:512]
        r = lax.broadcasted_iota(jnp.int32, (256, 512), 0)
        cc = lax.broadcasted_iota(jnp.int32, (256, 512), 1)
        ccm = cc % 256
        m_both = jnp.where(cc < 256, (r <= ccm).astype(jnp.float32),
                           (jnp.maximum(r - 1, 0) >= ccm).astype(jnp.float32))
        nt_cr = dot(h_nt, m_both)
        t_cr = dot(h_t, m_both)
        tn = nt_cr[:, 0:256]
        fp = nt_cr[:, 256:512]
        fn = t_cr[:, 0:256]
        tp = t_cr[:, 256:512]
        x = fp / (fp + tn + EPS)
        y = (tp + EPS) / (tp + fn + EPS)
        xy = jnp.concatenate([x, y], axis=0)
        r2 = lax.broadcasted_iota(jnp.int32, (256, 256), 0)
        c2 = lax.broadcasted_iota(jnp.int32, (256, 256), 1)
        shift = (r2 == c2 + 1).astype(jnp.float32)
        xys = dot(xy, shift)
        xs = xys[0:1, :]
        ys = xys[1:2, :]
        j = lax.broadcasted_iota(jnp.int32, (1, 256), 1)
        terms = jnp.where(j <= NT - 2, (x - xs) * (y + ys) * 0.5, 0.0)
        o_ref[...] = jnp.sum(terms, axis=1, keepdims=True)

    return pl.pallas_call(
        body,
        out_shape=jax.ShapeDtypeStruct((1, 1), jnp.float32),
    )(partials)


def kernel(preds, targets):
    p = preds.reshape(-1)
    t = targets.reshape(-1)
    hist = _sc_hist(p, t, _thr_table())
    roc = _tc_auc(hist)
    return roc.reshape(())

# --- scband reference (transcript-rebuilt; emitter-appended) ---
"""Pipeline reference for scband-binned-auc-61976378081775 (READ-ONLY COPY).

The authoritative reference and input builder live on the scoring server;
editing this copy changes nothing except your own understanding.
"""

import jax, jax.numpy as jnp
import numpy as np

EPSILON = 1e-07
NUM_THRESHOLDS = 200
N = 4194304

def make_thresholds():
    thr = [(i + 1) * 1.0 / (NUM_THRESHOLDS - 1) for i in range(NUM_THRESHOLDS - 2)]
    thr = [0.0 - EPSILON] + thr + [1.0 + EPSILON]
    return jnp.asarray(thr, dtype=jnp.float32)

def setup_inputs(seed: int = 0) -> dict:
    key = jax.random.key(seed)
    k1, k2 = jax.random.split(key)
    preds = jax.random.uniform(k1, (N, 1), dtype=jnp.float32)
    targets = jax.random.uniform(k2, (N, 1), dtype=jnp.float32)
    return {"preds": preds, "targets": targets}

def reference(preds, targets):
    thresholds = make_thresholds()
    p = preds.reshape(-1)
    t = (targets == 1.0).reshape(-1)
    w = jnp.ones_like(p)
    # torch.bucketize default right=False: idx = number of thresholds <= p ... actually
    # torch.bucketize(input, boundaries) returns index of first boundary > input (right=False means
    # boundaries[i-1] <= input < boundaries[i]) -> equivalent to searchsorted side='right'? torch default
    # right=False corresponds to jnp.searchsorted side='left' on boundaries with input strictly:
    # torch.bucketize(x, b, right=False) == np.searchsorted(b, x, side='left')
    bin_idx = jnp.searchsorted(thresholds, p, side='left').astype(jnp.int32)
    nt = NUM_THRESHOLDS
    t_f = t.astype(jnp.float32)
    not_t_f = (~t).astype(jnp.float32)
    idx_lo = jnp.clip(bin_idx - 1, 0, None)
    tp = jnp.zeros((nt,), jnp.float32).at[idx_lo].add(w * t_f)
    tp = jnp.flip(jnp.cumsum(jnp.flip(tp, 0), 0), 0)
    tn = jnp.zeros((nt,), jnp.float32).at[bin_idx].add(w * not_t_f)
    tn = jnp.cumsum(tn, 0)
    fp = jnp.zeros((nt,), jnp.float32).at[idx_lo].add(w * not_t_f)
    fp = jnp.flip(jnp.cumsum(jnp.flip(fp, 0), 0), 0)
    fn = jnp.zeros((nt,), jnp.float32).at[bin_idx].add(w * t_f)
    fn = jnp.cumsum(fn, 0)
    tp = tp[:, None]; tn = tn[:, None]; fp = fp[:, None]; fn = fn[:, None]
    x = fp / (fp + tn + EPSILON)
    y = (tp + EPSILON) / (tp + fn + EPSILON)
    roc = jnp.sum((x[:-1] - x[1:]) * ((y[:-1] + y[1:]) / 2.0))
    return roc

if __name__ == "__main__":
    import jax
    _d = setup_inputs()
    print(jax.jit(kernel)(*tuple(_d.values())))

</pallas_src>

<mosaic_0001>
#map = affine_map<(d0, d1) -> (0)>
#map1 = affine_map<(d0, d1) -> (0, 0)>
module attributes {stable_mosaic.version = 14 : i64} {
  func.func @k(%arg0: i32, %arg1: i32, %arg2: memref<4194304xf32, #tpu.memory_space<hbm>>, %arg3: memref<4194304xf32, #tpu.memory_space<hbm>>, %arg4: memref<3328xf32, #tpu.memory_space<hbm>>, %arg5: memref<32x8192xf32, #tpu.memory_space<hbm>>, %arg6: memref<16384xf32, #tpu.memory_space<vmem>>, %arg7: memref<16384xf32, #tpu.memory_space<vmem>>, %arg8: memref<16384xf32, #tpu.memory_space<vmem>>, %arg9: memref<16384xf32, #tpu.memory_space<vmem>>, %arg10: memref<3328xf32, #tpu.memory_space<vmem>>, %arg11: memref<8192xf32, #tpu.memory_space<vmem>>, %arg12: memref<!tpu.dma_semaphore, #tpu.memory_space<semaphore_mem>>, %arg13: memref<!tpu.dma_semaphore, #tpu.memory_space<semaphore_mem>>, %arg14: memref<!tpu.dma_semaphore, #tpu.memory_space<semaphore_mem>>, %arg15: memref<!tpu.dma_semaphore, #tpu.memory_space<semaphore_mem>>) attributes {dimension_semantics = [#tpu.dimension_semantics<core_parallel>, #tpu.dimension_semantics<subcore_parallel>], iteration_bounds = array<i64: 2, 16>, scalar_prefetch = 0 : i64, scratch_operands = 10 : i64, tpu.core_type = #tpu.core_type<sc_vector_subcore>, window_params = [{transform_indices = #map}, {transform_indices = #map}, {transform_indices = #map}, {transform_indices = #map1}]} {
    %mul3A = arith.constant 2 : i32
    %mul3A_0 = arith.muli %arg1, %mul3A : i32
    %add3A = arith.addi %mul3A_0, %arg0 : i32
    %mul3A_1 = arith.constant 131072 : i32
    %mul3A_2 = arith.muli %add3A, %mul3A_1 : i32
    %add3A_3 = arith.constant 0 : i32
    %add3A_4 = arith.addi %mul3A_2, %add3A_3 : i32
    %dma_start3A = tpu.memref_slice %arg2[%add3A_4] : memref<4194304xf32, #tpu.memory_space<hbm>> -> memref<16384xf32, #tpu.memory_space<hbm>>
    %dma_start3A_5 = tpu.memref_slice %arg2[%add3A_4] : memref<4194304xf32, #tpu.memory_space<hbm>> -> memref<16384xf32, #tpu.memory_space<hbm>>
    tpu.enqueue_dma source(%dma_start3A_5 : memref<16384xf32, #tpu.memory_space<hbm>>) target(%arg6 : memref<16384xf32, #tpu.memory_space<vmem>>) target_semaphore(%arg12 : memref<!tpu.dma_semaphore, #tpu.memory_space<semaphore_mem>>)
    %dma_start3A_6 = tpu.memref_slice %arg3[%add3A_4] : memref<4194304xf32, #tpu.memory_space<hbm>> -> memref<16384xf32, #tpu.memory_space<hbm>>
    %dma_start3A_7 = tpu.memref_slice %arg3[%add3A_4] : memref<4194304xf32, #tpu.memory_space<hbm>> -> memref<16384xf32, #tpu.memory_space<hbm>>
    tpu.enqueue_dma source(%dma_start3A_7 : memref<16384xf32, #tpu.memory_space<hbm>>) target(%arg7 : memref<16384xf32, #tpu.memory_space<vmem>>) target_semaphore(%arg13 : memref<!tpu.dma_semaphore, #tpu.memory_space<semaphore_mem>>)
    "tpu.region"() ({
      %run_scoped3A = tpu.sem_alloc : memref<!tpu.dma_semaphore, #tpu.memory_space<semaphore_mem>>
      tpu.enqueue_dma source(%arg4 : memref<3328xf32, #tpu.memory_space<hbm>>) target(%arg10 : memref<3328xf32, #tpu.memory_space<vmem>>) target_semaphore(%run_scoped3A : memref<!tpu.dma_semaphore, #tpu.memory_space<semaphore_mem>>)
      tpu.wait_dma2 semaphore(%run_scoped3A : memref<!tpu.dma_semaphore, #tpu.memory_space<semaphore_mem>>) src(%arg4 : memref<3328xf32, #tpu.memory_space<hbm>>) dst(%arg10 : memref<3328xf32, #tpu.memory_space<vmem>>)
      tpu.yield
    }) : () -> ()
    %broadcast_in_dim3A = arith.constant 0.000000e+00 : f32
    %broadcast_in_dim3A_8 = vector.broadcast %broadcast_in_dim3A : f32 to vector<16xf32>
    %parallel_loop3A = arith.constant 0 : i32
    %parallel_loop3A_9 = arith.constant 8192 : i32
    %parallel_loop3A_10 = arith.constant 16 : i32
    scf.for %parallel_loop3A_21 = %parallel_loop3A to %parallel_loop3A_9 step %parallel_loop3A_10  : i32 {
      %parallel_loop3A_22 = arith.index_cast %parallel_loop3A_21 : i32 to index
      %parallel_loop3A_23 = tpu.vector_load %arg11[%parallel_loop3A_22] {strides = array<i32>} : memref<8192xf32, #tpu.memory_space<vmem>>, vector<16xf32>,
      tpu.vector_store %arg11[%parallel_loop3A_22], %broadcast_in_dim3A_8 {strides = array<i32>} : memref<8192xf32, #tpu.memory_space<vmem>>, vector<16xf32>,
    } {sc.loop_unroll_factor = 4 : i64, sc.parallel_access}
    %broadcast_in_dim3A_11 = arith.constant 1.000000e+00 : f32
    %broadcast_in_dim3A_12 = vector.broadcast %broadcast_in_dim3A_11 : f32 to vector<16xf32>
    %iota3A = tpu.iota {dimensions = array<i32: 0>} : vector<16xi32>
    %broadcast_in_dim3A_13 = arith.constant 1275068416 : i32
    %broadcast_in_dim3A_14 = vector.broadcast %broadcast_in_dim3A_13 : i32 to vector<16xi32>
    %add3A_15 = arith.addi %iota3A, %broadcast_in_dim3A_14 : vector<16xi32>
    %scan3A = arith.constant 0x4B400000 : f32
    %scan3A_16 = arith.constant 0 : i32
    %scan3A_17 = arith.constant 4 : i32
    %scan3A_18 = arith.addi %scan3A_16, %scan3A_17 : i32
    %scan3A_19 = arith.constant 1 : i32
    scf.for %scan3A_21 = %scan3A_16 to %scan3A_18 step %scan3A_19  : i32 {
      %mul3A_22 = arith.constant 2 : i32
      %mul3A_23 = arith.muli %scan3A_21, %mul3A_22 : i32
      %add3A_24 = arith.constant 0 : i32
      %add3A_25 = arith.addi %add3A_24, %mul3A_23 : i32
      %add3A_26 = arith.constant 1 : i32
      %add3A_27 = arith.addi %add3A_25, %add3A_26 : i32
      %mul3A_28 = arith.constant 16384 : i32
      %mul3A_29 = arith.muli %add3A_27, %mul3A_28 : i32
      %add3A_30 = arith.addi %mul3A_2, %mul3A_29 : i32
      %dma_start3A_31 = tpu.memref_slice %arg2[%add3A_30] : memref<4194304xf32, #tpu.memory_space<hbm>> -> memref<16384xf32, #tpu.memory_space<hbm>>
      %dma_start3A_32 = tpu.memref_slice %arg2[%add3A_30] : memref<4194304xf32, #tpu.memory_space<hbm>> -> memref<16384xf32, #tpu.memory_space<hbm>>
      tpu.enqueue_dma source(%dma_start3A_32 : memref<16384xf32, #tpu.memory_space<hbm>>) target(%arg8 : memref<16384xf32, #tpu.memory_space<vmem>>) target_semaphore(%arg14 : memref<!tpu.dma_semaphore, #tpu.memory_space<semaphore_mem>>)
      %dma_start3A_33 = tpu.memref_slice %arg3[%add3A_30] : memref<4194304xf32, #tpu.memory_space<hbm>> -> memref<16384xf32, #tpu.memory_space<hbm>>
      %dma_start3A_34 = tpu.memref_slice %arg3[%add3A_30] : memref<4194304xf32, #tpu.memory_space<hbm>> -> memref<16384xf32, #tpu.memory_space<hbm>>
      tpu.enqueue_dma source(%dma_start3A_34 : memref<16384xf32, #tpu.memory_space<hbm>>) target(%arg9 : memref<16384xf32, #tpu.memory_space<vmem>>) target_semaphore(%arg15 : memref<!tpu.dma_semaphore, #tpu.memory_space<semaphore_mem>>)
      %dma_wait3A = arith.constant 0 : i32
      %dma_wait3A_35 = tpu.memref_slice %arg2[%dma_wait3A] : memref<4194304xf32, #tpu.memory_space<hbm>> -> memref<16384xf32, #tpu.memory_space<hbm>>
      %dma_wait3A_36 = arith.constant 0 : i32
      %dma_wait3A_37 = tpu.memref_slice %arg2[%dma_wait3A_36] : memref<4194304xf32, #tpu.memory_space<hbm>> -> memref<16384xf32, #tpu.memory_space<hbm>>
      tpu.wait_dma2 semaphore(%arg12 : memref<!tpu.dma_semaphore, #tpu.memory_space<semaphore_mem>>) src(%dma_wait3A_37 : memref<16384xf32, #tpu.memory_space<hbm>>) dst(%arg6 : memref<16384xf32, #tpu.memory_space<vmem>>)
      %dma_wait3A_38 = arith.constant 0 : i32
      %dma_wait3A_39 = tpu.memref_slice %arg3[%dma_wait3A_38] : memref<4194304xf32, #tpu.memory_space<hbm>> -> memref<16384xf32, #tpu.memory_space<hbm>>
      %dma_wait3A_40 = arith.constant 0 : i32
      %dma_wait3A_41 = tpu.memref_slice %arg3[%dma_wait3A_40] : memref<4194304xf32, #tpu.memory_space<hbm>> -> memref<16384xf32, #tpu.memory_space<hbm>>
      tpu.wait_dma2 semaphore(%arg13 : memref<!tpu.dma_semaphore, #tpu.memory_space<semaphore_mem>>) src(%dma_wait3A_41 : memref<16384xf32, #tpu.memory_space<hbm>>) dst(%arg7 : memref<16384xf32, #tpu.memory_space<vmem>>)
      %parallel_loop3A_42 = arith.constant 0 : i32
      %parallel_loop3A_43 = arith.constant 16384 : i32
      %parallel_loop3A_44 = arith.constant 16 : i32
      scf.for %parallel_loop3A_60 = %parallel_loop3A_42 to %parallel_loop3A_43 step %parallel_loop3A_44  : i32 {
        %parallel_loop3A_61 = arith.index_cast %parallel_loop3A_60 : i32 to index
        %parallel_loop3A_62 = tpu.vector_load %arg6[%parallel_loop3A_61] {strides = array<i32>} : memref<16384xf32, #tpu.memory_space<vmem>>, vector<16xf32>,
        %parallel_loop3A_63 = arith.constant 1.990000e+02 : f32
        %parallel_loop3A_64 = vector.broadcast %parallel_loop3A_63 : f32 to vector<16xf32>
        %parallel_loop3A_65 = arith.mulf %parallel_loop3A_62, %parallel_loop3A_64 : vector<16xf32>
        %parallel_loop3A_66 = vector.broadcast %scan3A : f32 to vector<16xf32>
        %parallel_loop3A_67 = arith.addf %parallel_loop3A_65, %parallel_loop3A_66 : vector<16xf32>
        %parallel_loop3A_68 = vector.bitcast %parallel_loop3A_67 : vector<16xf32> to vector<16xi32>
        %parallel_loop3A_69 = arith.constant 4 : i32
        %parallel_loop3A_70 = vector.broadcast %parallel_loop3A_69 : i32 to vector<16xi32>
        %parallel_loop3A_71 = arith.shli %parallel_loop3A_68, %parallel_loop3A_70 : vector<16xi32>
        %parallel_loop3A_72 = arith.addi %parallel_loop3A_71, %add3A_15 : vector<16xi32>
        %parallel_loop3A_73 = tpu.vector_load_idx %arg10[%parallel_loop3A_72] : memref<3328xf32, #tpu.memory_space<vmem>>[vector<16xi32>], vector<16xf32>,
        %parallel_loop3A_74 = arith.index_cast %parallel_loop3A_60 : i32 to index
        %parallel_loop3A_75 = tpu.vector_load %arg7[%parallel_loop3A_74] {strides = array<i32>} : memref<16384xf32, #tpu.memory_space<vmem>>, vector<16xf32>,
        %parallel_loop3A_76 = arith.cmpf olt, %parallel_loop3A_73, %parallel_loop3A_62 : vector<16xf32>
        %parallel_loop3A_77 = arith.constant 16 : i32
        %parallel_loop3A_78 = arith.constant 0 : i32
        %parallel_loop3A_79 = vector.broadcast %parallel_loop3A_77 : i32 to vector<16xi32>
        %parallel_loop3A_80 = vector.broadcast %parallel_loop3A_78 : i32 to vector<16xi32>
        %parallel_loop3A_81 = arith.select %parallel_loop3A_76, %parallel_loop3A_79, %parallel_loop3A_80 : vector<16xi1>, vector<16xi32>
        %parallel_loop3A_82 = arith.addi %parallel_loop3A_72, %parallel_loop3A_81 : vector<16xi32>
        %parallel_loop3A_83 = arith.constant 1.000000e+00 : f32
        %parallel_loop3A_84 = vector.broadcast %parallel_loop3A_83 : f32 to vector<16xf32>
        %parallel_loop3A_85 = arith.cmpf oeq, %parallel_loop3A_75, %parallel_loop3A_84 : vector<16xf32>
        %parallel_loop3A_86 = arith.constant 4096 : i32
        %parallel_loop3A_87 = arith.constant 0 : i32
        %parallel_loop3A_88 = vector.broadcast %parallel_loop3A_86 : i32 to vector<16xi32>
        %parallel_loop3A_89 = vector.broadcast %parallel_loop3A_87 : i32 to vector<16xi32>
        %parallel_loop3A_90 = arith.select %parallel_loop3A_85, %parallel_loop3A_88, %parallel_loop3A_89 : vector<16xi1>, vector<16xi32>
        %parallel_loop3A_91 = arith.addi %parallel_loop3A_82, %parallel_loop3A_90 : vector<16xi32>
        tpu.vector_store_idx %arg11[%parallel_loop3A_91], %broadcast_in_dim3A_12 {add = true} : memref<8192xf32, #tpu.memory_space<vmem>>[vector<16xi32>], vector<16xf32>,
      } {sc.loop_unroll_factor = 4 : i64, sc.parallel_access}
      %add3A_45 = arith.constant 2 : i32
      %add3A_46 = arith.addi %add3A_25, %add3A_45 : i32
      %lt3A = arith.constant 8 : i32
      %lt3A_47 = arith.cmpi slt, %add3A_46, %lt3A : i32
      %convert_element_type3A = arith.extui %lt3A_47 : i1 to i32
      %cond3A = arith.constant 0 : i32
      %cond3A_48 = arith.cmpi ne, %convert_element_type3A, %cond3A : i32
      scf.if %cond3A_48 {
        %add3A_60 = arith.constant 2 : i32
        %add3A_61 = arith.addi %add3A_25, %add3A_60 : i32
        %mul3A_62 = arith.constant 16384 : i32
        %mul3A_63 = arith.muli %add3A_61, %mul3A_62 : i32
        %add3A_64 = arith.addi %mul3A_2, %mul3A_63 : i32
        %dma_start3A_65 = tpu.memref_slice %arg2[%add3A_64] : memref<4194304xf32, #tpu.memory_space<hbm>> -> memref<16384xf32, #tpu.memory_space<hbm>>
        %dma_start3A_66 = tpu.memref_slice %arg2[%add3A_64] : memref<4194304xf32, #tpu.memory_space<hbm>> -> memref<16384xf32, #tpu.memory_space<hbm>>
        tpu.enqueue_dma source(%dma_start3A_66 : memref<16384xf32, #tpu.memory_space<hbm>>) target(%arg6 : memref<16384xf32, #tpu.memory_space<vmem>>) target_semaphore(%arg12 : memref<!tpu.dma_semaphore, #tpu.memory_space<semaphore_mem>>)
        %dma_start3A_67 = tpu.memref_slice %arg3[%add3A_64] : memref<4194304xf32, #tpu.memory_space<hbm>> -> memref<16384xf32, #tpu.memory_space<hbm>>
        %dma_start3A_68 = tpu.memref_slice %arg3[%add3A_64] : memref<4194304xf32, #tpu.memory_space<hbm>> -> memref<16384xf32, #tpu.memory_space<hbm>>
        tpu.enqueue_dma source(%dma_start3A_68 : memref<16384xf32, #tpu.memory_space<hbm>>) target(%arg7 : memref<16384xf32, #tpu.memory_space<vmem>>) target_semaphore(%arg13 : memref<!tpu.dma_semaphore, #tpu.memory_space<semaphore_mem>>)
      } else {
      }
      %dma_wait3A_49 = arith.constant 0 : i32
      %dma_wait3A_50 = tpu.memref_slice %arg2[%dma_wait3A_49] : memref<4194304xf32, #tpu.memory_space<hbm>> -> memref<16384xf32, #tpu.memory_space<hbm>>
      %dma_wait3A_51 = arith.constant 0 : i32
      %dma_wait3A_52 = tpu.memref_slice %arg2[%dma_wait3A_51] : memref<4194304xf32, #tpu.memory_space<hbm>> -> memref<16384xf32, #tpu.memory_space<hbm>>
      tpu.wait_dma2 semaphore(%arg14 : memref<!tpu.dma_semaphore, #tpu.memory_space<semaphore_mem>>) src(%dma_wait3A_52 : memref<16384xf32, #tpu.memory_space<hbm>>) dst(%arg8 : memref<16384xf32, #tpu.memory_space<vmem>>)
      %dma_wait3A_53 = arith.constant 0 : i32
      %dma_wait3A_54 = tpu.memref_slice %arg3[%dma_wait3A_53] : memref<4194304xf32, #tpu.memory_space<hbm>> -> memref<16384xf32, #tpu.memory_space<hbm>>
      %dma_wait3A_55 = arith.constant 0 : i32
      %dma_wait3A_56 = tpu.memref_slice %arg3[%dma_wait3A_55] : memref<4194304xf32, #tpu.memory_space<hbm>> -> memref<16384xf32, #tpu.memory_space<hbm>>
      tpu.wait_dma2 semaphore(%arg15 : memref<!tpu.dma_semaphore, #tpu.memory_space<semaphore_mem>>) src(%dma_wait3A_56 : memref<16384xf32, #tpu.memory_space<hbm>>) dst(%arg9 : memref<16384xf32, #tpu.memory_space<vmem>>)
      %parallel_loop3A_57 = arith.constant 0 : i32
      %parallel_loop3A_58 = arith.constant 16384 : i32
      %parallel_loop3A_59 = arith.constant 16 : i32
      scf.for %parallel_loop3A_60 = %parallel_loop3A_57 to %parallel_loop3A_58 step %parallel_loop3A_59  : i32 {
        %parallel_loop3A_61 = arith.index_cast %parallel_loop3A_60 : i32 to index
        %parallel_loop3A_62 = tpu.vector_load %arg8[%parallel_loop3A_61] {strides = array<i32>} : memref<16384xf32, #tpu.memory_space<vmem>>, vector<16xf32>,
        %parallel_loop3A_63 = arith.constant 1.990000e+02 : f32
        %parallel_loop3A_64 = vector.broadcast %parallel_loop3A_63 : f32 to vector<16xf32>
        %parallel_loop3A_65 = arith.mulf %parallel_loop3A_62, %parallel_loop3A_64 : vector<16xf32>
        %parallel_loop3A_66 = vector.broadcast %scan3A : f32 to vector<16xf32>
        %parallel_loop3A_67 = arith.addf %parallel_loop3A_65, %parallel_loop3A_66 : vector<16xf32>
        %parallel_loop3A_68 = vector.bitcast %parallel_loop3A_67 : vector<16xf32> to vector<16xi32>
        %parallel_loop3A_69 = arith.constant 4 : i32
        %parallel_loop3A_70 = vector.broadcast %parallel_loop3A_69 : i32 to vector<16xi32>
        %parallel_loop3A_71 = arith.shli %parallel_loop3A_68, %parallel_loop3A_70 : vector<16xi32>
        %parallel_loop3A_72 = arith.addi %parallel_loop3A_71, %add3A_15 : vector<16xi32>
        %parallel_loop3A_73 = tpu.vector_load_idx %arg10[%parallel_loop3A_72] : memref<3328xf32, #tpu.memory_space<vmem>>[vector<16xi32>], vector<16xf32>,
        %parallel_loop3A_74 = arith.index_cast %parallel_loop3A_60 : i32 to index
        %parallel_loop3A_75 = tpu.vector_load %arg9[%parallel_loop3A_74] {strides = array<i32>} : memref<16384xf32, #tpu.memory_space<vmem>>, vector<16xf32>,
        %parallel_loop3A_76 = arith.cmpf olt, %parallel_loop3A_73, %parallel_loop3A_62 : vector<16xf32>
        %parallel_loop3A_77 = arith.constant 16 : i32
        %parallel_loop3A_78 = arith.constant 0 : i32
        %parallel_loop3A_79 = vector.broadcast %parallel_loop3A_77 : i32 to vector<16xi32>
        %parallel_loop3A_80 = vector.broadcast %parallel_loop3A_78 : i32 to vector<16xi32>
        %parallel_loop3A_81 = arith.select %parallel_loop3A_76, %parallel_loop3A_79, %parallel_loop3A_80 : vector<16xi1>, vector<16xi32>
        %parallel_loop3A_82 = arith.addi %parallel_loop3A_72, %parallel_loop3A_81 : vector<16xi32>
        %parallel_loop3A_83 = arith.constant 1.000000e+00 : f32
        %parallel_loop3A_84 = vector.broadcast %parallel_loop3A_83 : f32 to vector<16xf32>
        %parallel_loop3A_85 = arith.cmpf oeq, %parallel_loop3A_75, %parallel_loop3A_84 : vector<16xf32>
        %parallel_loop3A_86 = arith.constant 4096 : i32
        %parallel_loop3A_87 = arith.constant 0 : i32
        %parallel_loop3A_88 = vector.broadcast %parallel_loop3A_86 : i32 to vector<16xi32>
        %parallel_loop3A_89 = vector.broadcast %parallel_loop3A_87 : i32 to vector<16xi32>
        %parallel_loop3A_90 = arith.select %parallel_loop3A_85, %parallel_loop3A_88, %parallel_loop3A_89 : vector<16xi1>, vector<16xi32>
        %parallel_loop3A_91 = arith.addi %parallel_loop3A_82, %parallel_loop3A_90 : vector<16xi32>
        tpu.vector_store_idx %arg11[%parallel_loop3A_91], %broadcast_in_dim3A_12 {add = true} : memref<8192xf32, #tpu.memory_space<vmem>>[vector<16xi32>], vector<16xf32>,
      } {sc.loop_unroll_factor = 4 : i64, sc.parallel_access}
    }
    %scan3A_20 = arith.constant 4 : i32
    "tpu.region"() ({
      %run_scoped3A = tpu.sem_alloc : memref<!tpu.dma_semaphore, #tpu.memory_space<semaphore_mem>>
      %dma_start3A_21 = arith.constant 0 : i32
      %dma_start3A_22 = tpu.memref_slice %arg5[%add3A, %dma_start3A_21] : memref<32x8192xf32, #tpu.memory_space<hbm>> -> memref<1x8192xf32, #tpu.memory_space<hbm>>
      %dma_start3A_23 = tpu.memref_squeeze %dma_start3A_22 : memref<1x8192xf32, #tpu.memory_space<hbm>> -> memref<8192xf32, #tpu.memory_space<hbm>>
      %dma_start3A_24 = arith.constant 0 : i32
      %dma_start3A_25 = tpu.memref_slice %arg5[%add3A, %dma_start3A_24] : memref<32x8192xf32, #tpu.memory_space<hbm>> -> memref<1x8192xf32, #tpu.memory_space<hbm>>
      %dma_start3A_26 = tpu.memref_squeeze %dma_start3A_25 : memref<1x8192xf32, #tpu.memory_space<hbm>> -> memref<8192xf32, #tpu.memory_space<hbm>>
      tpu.enqueue_dma source(%arg11 : memref<8192xf32, #tpu.memory_space<vmem>>) target(%dma_start3A_26 : memref<8192xf32, #tpu.memory_space<hbm>>) target_semaphore(%run_scoped3A : memref<!tpu.dma_semaphore, #tpu.memory_space<semaphore_mem>>)
      %dma_wait3A = arith.constant 0 : i32
      %dma_wait3A_27 = tpu.memref_slice %arg5[%add3A, %dma_wait3A] : memref<32x8192xf32, #tpu.memory_space<hbm>> -> memref<1x8192xf32, #tpu.memory_space<hbm>>
      %dma_wait3A_28 = tpu.memref_squeeze %dma_wait3A_27 : memref<1x8192xf32, #tpu.memory_space<hbm>> -> memref<8192xf32, #tpu.memory_space<hbm>>
      %dma_wait3A_29 = arith.constant 0 : i32
      %dma_wait3A_30 = tpu.memref_slice %arg5[%add3A, %dma_wait3A_29] : memref<32x8192xf32, #tpu.memory_space<hbm>> -> memref<1x8192xf32, #tpu.memory_space<hbm>>
      %dma_wait3A_31 = tpu.memref_squeeze %dma_wait3A_30 : memref<1x8192xf32, #tpu.memory_space<hbm>> -> memref<8192xf32, #tpu.memory_space<hbm>>
      tpu.wait_dma2 semaphore(%run_scoped3A : memref<!tpu.dma_semaphore, #tpu.memory_space<semaphore_mem>>) src(%arg11 : memref<8192xf32, #tpu.memory_space<vmem>>) dst(%dma_wait3A_31 : memref<8192xf32, #tpu.memory_space<hbm>>)
      tpu.yield
    }) : () -> ()
    return
  }
}

module attributes {stable_mosaic.version = 14 : i64} {
  func.func @body(%arg0: memref<32x8192xf32, #tpu.memory_space<vmem>>, %arg1: memref<1x1xf32, #tpu.memory_space<vmem>>) attributes {dimension_semantics = [], scalar_prefetch = 0 : i64, scratch_operands = 0 : i64, tpu.core_type = #tpu.core_type<tc>} {
    %get3A = arith.constant 0 : index
    %get3A_0 = arith.constant 0 : index
    %get3A_1 = vector.load %arg0[%get3A, %get3A_0] : memref<32x8192xf32, #tpu.memory_space<vmem>>, vector<32x8192xf32>
    %broadcast_in_dim3A = arith.constant 1.000000e+00 : f32
    %broadcast_in_dim3A_2 = vector.broadcast %broadcast_in_dim3A : f32 to vector<1x32xf32>
    %dot_general3A = arith.constant dense<0.000000e+00> : vector<1x8192xf32>
    %dot_general3A_3 = tpu.matmul %broadcast_in_dim3A_2, %get3A_1, %dot_general3A {dimension_numbers = #tpu.dot_dimension_numbers<[1], [0], [0], [1], [0, 0, 1, 1], [], []>, precision = #tpu.contract_precision<fp32>, transpose_lhs_hint = false} : vector<1x32xf32>, vector<32x8192xf32>, vector<1x8192xf32> -> vector<1x8192xf32>
    %iota3A = tpu.iota {dimensions = array<i32: 0>} : vector<1024x64xi32>
    %jit3A = arith.constant 16 : i32
    %div3A = vector.broadcast %jit3A : i32 to vector<1024x64xi32>
    %div3A_4 = arith.divsi %iota3A, %div3A : vector<1024x64xi32>
    %sign3A = arith.constant 0 : i32
    %sign3A_5 = vector.broadcast %sign3A : i32 to vector<1024x64xi32>
    %sign3A_6 = arith.cmpi sgt, %iota3A, %sign3A_5 : vector<1024x64xi32>
    %sign3A_7 = arith.extui %sign3A_6 : vector<1024x64xi1> to vector<1024x64xi32>
    %sign3A_8 = arith.constant 0 : i32
    %sign3A_9 = vector.broadcast %sign3A_8 : i32 to vector<1024x64xi32>
    %sign3A_10 = arith.cmpi slt, %iota3A, %sign3A_9 : vector<1024x64xi32>
    %sign3A_11 = arith.extui %sign3A_10 : vector<1024x64xi1> to vector<1024x64xi32>
    %sign3A_12 = arith.subi %sign3A_7, %sign3A_11 : vector<1024x64xi32>
    %sign3A_13 = arith.constant 0 : i32
    %sign3A_14 = arith.cmpi sgt, %jit3A, %sign3A_13 : i32
    %sign3A_15 = arith.extui %sign3A_14 : i1 to i32
    %sign3A_16 = arith.constant 0 : i32
    %sign3A_17 = arith.cmpi slt, %jit3A, %sign3A_16 : i32
    %sign3A_18 = arith.extui %sign3A_17 : i1 to i32
    %sign3A_19 = arith.subi %sign3A_15, %sign3A_18 : i32
    %ne3A = vector.broadcast %sign3A_19 : i32 to vector<1024x64xi32>
    %ne3A_20 = arith.cmpi ne, %sign3A_12, %ne3A : vector<1024x64xi32>
    %rem3A = vector.broadcast %jit3A : i32 to vector<1024x64xi32>
    %rem3A_21 = arith.remsi %iota3A, %rem3A : vector<1024x64xi32>
    %ne3A_22 = arith.constant 0 : i32
    %ne3A_23 = vector.broadcast %ne3A_22 : i32 to vector<1024x64xi32>
    %ne3A_24 = arith.cmpi ne, %rem3A_21, %ne3A_23 : vector<1024x64xi32>
    %and3A = arith.andi %ne3A_20, %ne3A_24 : vector<1024x64xi1>
    %sub3A = arith.constant 1 : i32
    %sub3A_25 = vector.broadcast %sub3A : i32 to vector<1024x64xi32>
    %sub3A_26 = arith.subi %div3A_4, %sub3A_25 : vector<1024x64xi32>
    %select_n3A = arith.select %and3A, %sub3A_26, %div3A_4 : vector<1024x64xi1>, vector<1024x64xi32>
    %iota3A_27 = tpu.iota {dimensions = array<i32: 1>} : vector<1024x64xi32>
    %eq3A = arith.cmpi eq, %select_n3A, %iota3A_27 : vector<1024x64xi32>
    %convert_element_type3A = arith.extui %eq3A : vector<1024x64xi1> to vector<1024x64xi32>
    %convert_element_type3A_28 = arith.sitofp %convert_element_type3A : vector<1024x64xi32> to vector<1024x64xf32>
    %slice3A = vector.extract_strided_slice %dot_general3A_3 {offsets = [0, 0], sizes = [1, 1024], strides = [1, 1]} : vector<1x8192xf32> to vector<1x1024xf32>
    %dot_general3A_29 = arith.constant dense<0.000000e+00> : vector<1x64xf32>
    %dot_general3A_30 = tpu.matmul %slice3A, %convert_element_type3A_28, %dot_general3A_29 {dimension_numbers = #tpu.dot_dimension_numbers<[1], [0], [0], [1], [0, 0, 1, 1], [], []>, precision = #tpu.contract_precision<fp32>, transpose_lhs_hint = false} : vector<1x1024xf32>, vector<1024x64xf32>, vector<1x64xf32> -> vector<1x64xf32>
    %slice3A_31 = vector.extract_strided_slice %dot_general3A_3 {offsets = [0, 1024], sizes = [1, 1024], strides = [1, 1]} : vector<1x8192xf32> to vector<1x1024xf32>
    %dot_general3A_32 = arith.constant dense<0.000000e+00> : vector<1x64xf32>
    %dot_general3A_33 = tpu.matmul %slice3A_31, %convert_element_type3A_28, %dot_general3A_32 {dimension_numbers = #tpu.dot_dimension_numbers<[1], [0], [0], [1], [0, 0, 1, 1], [], []>, precision = #tpu.contract_precision<fp32>, transpose_lhs_hint = false} : vector<1x1024xf32>, vector<1024x64xf32>, vector<1x64xf32> -> vector<1x64xf32>
    %slice3A_34 = vector.extract_strided_slice %dot_general3A_3 {offsets = [0, 2048], sizes = [1, 1024], strides = [1, 1]} : vector<1x8192xf32> to vector<1x1024xf32>
    %dot_general3A_35 = arith.constant dense<0.000000e+00> : vector<1x64xf32>
    %dot_general3A_36 = tpu.matmul %slice3A_34, %convert_element_type3A_28, %dot_general3A_35 {dimension_numbers = #tpu.dot_dimension_numbers<[1], [0], [0], [1], [0, 0, 1, 1], [], []>, precision = #tpu.contract_precision<fp32>, transpose_lhs_hint = false} : vector<1x1024xf32>, vector<1024x64xf32>, vector<1x64xf32> -> vector<1x64xf32>
    %slice3A_37 = vector.extract_strided_slice %dot_general3A_3 {offsets = [0, 3072], sizes = [1, 1024], strides = [1, 1]} : vector<1x8192xf32> to vector<1x1024xf32>
    %dot_general3A_38 = arith.constant dense<0.000000e+00> : vector<1x64xf32>
    %dot_general3A_39 = tpu.matmul %slice3A_37, %convert_element_type3A_28, %dot_general3A_38 {dimension_numbers = #tpu.dot_dimension_numbers<[1], [0], [0], [1], [0, 0, 1, 1], [], []>, precision = #tpu.contract_precision<fp32>, transpose_lhs_hint = false} : vector<1x1024xf32>, vector<1024x64xf32>, vector<1x64xf32> -> vector<1x64xf32>
    %slice3A_40 = vector.extract_strided_slice %dot_general3A_3 {offsets = [0, 4096], sizes = [1, 1024], strides = [1, 1]} : vector<1x8192xf32> to vector<1x1024xf32>
    %dot_general3A_41 = arith.constant dense<0.000000e+00> : vector<1x64xf32>
    %dot_general3A_42 = tpu.matmul %slice3A_40, %convert_element_type3A_28, %dot_general3A_41 {dimension_numbers = #tpu.dot_dimension_numbers<[1], [0], [0], [1], [0, 0, 1, 1], [], []>, precision = #tpu.contract_precision<fp32>, transpose_lhs_hint = false} : vector<1x1024xf32>, vector<1024x64xf32>, vector<1x64xf32> -> vector<1x64xf32>
    %slice3A_43 = vector.extract_strided_slice %dot_general3A_3 {offsets = [0, 5120], sizes = [1, 1024], strides = [1, 1]} : vector<1x8192xf32> to vector<1x1024xf32>
    %dot_general3A_44 = arith.constant dense<0.000000e+00> : vector<1x64xf32>
    %dot_general3A_45 = tpu.matmul %slice3A_43, %convert_element_type3A_28, %dot_general3A_44 {dimension_numbers = #tpu.dot_dimension_numbers<[1], [0], [0], [1], [0, 0, 1, 1], [], []>, precision = #tpu.contract_precision<fp32>, transpose_lhs_hint = false} : vector<1x1024xf32>, vector<1024x64xf32>, vector<1x64xf32> -> vector<1x64xf32>
    %slice3A_46 = vector.extract_strided_slice %dot_general3A_3 {offsets = [0, 6144], sizes = [1, 1024], strides = [1, 1]} : vector<1x8192xf32> to vector<1x1024xf32>
    %dot_general3A_47 = arith.constant dense<0.000000e+00> : vector<1x64xf32>
    %dot_general3A_48 = tpu.matmul %slice3A_46, %convert_element_type3A_28, %dot_general3A_47 {dimension_numbers = #tpu.dot_dimension_numbers<[1], [0], [0], [1], [0, 0, 1, 1], [], []>, precision = #tpu.contract_precision<fp32>, transpose_lhs_hint = false} : vector<1x1024xf32>, vector<1024x64xf32>, vector<1x64xf32> -> vector<1x64xf32>
    %slice3A_49 = vector.extract_strided_slice %dot_general3A_3 {offsets = [0, 7168], sizes = [1, 1024], strides = [1, 1]} : vector<1x8192xf32> to vector<1x1024xf32>
    %dot_general3A_50 = arith.constant dense<0.000000e+00> : vector<1x64xf32>
    %dot_general3A_51 = tpu.matmul %slice3A_49, %convert_element_type3A_28, %dot_general3A_50 {dimension_numbers = #tpu.dot_dimension_numbers<[1], [0], [0], [1], [0, 0, 1, 1], [], []>, precision = #tpu.contract_precision<fp32>, transpose_lhs_hint = false} : vector<1x1024xf32>, vector<1024x64xf32>, vector<1x64xf32> -> vector<1x64xf32>
    %concatenate3A = tpu.concatenate %dot_general3A_30, %dot_general3A_33, %dot_general3A_36, %dot_general3A_39, %dot_general3A_42, %dot_general3A_45, %dot_general3A_48, %dot_general3A_51 in 1 : vector<1x64xf32>, vector<1x64xf32>, vector<1x64xf32>, vector<1x64xf32>, vector<1x64xf32>, vector<1x64xf32>, vector<1x64xf32>, vector<1x64xf32> -> vector<1x512xf32>
    %slice3A_52 = vector.extract_strided_slice %concatenate3A {offsets = [0, 0], sizes = [1, 256], strides = [1, 1]} : vector<1x512xf32> to vector<1x256xf32>
    %slice3A_53 = vector.extract_strided_slice %concatenate3A {offsets = [0, 256], sizes = [1, 256], strides = [1, 1]} : vector<1x512xf32> to vector<1x256xf32>
    %iota3A_54 = tpu.iota {dimensions = array<i32: 0>} : vector<256x512xi32>
    %iota3A_55 = tpu.iota {dimensions = array<i32: 1>} : vector<256x512xi32>
    %jit3A_56 = arith.constant 256 : i32
    %eq3A_57 = arith.constant 0 : i32
    %eq3A_58 = arith.cmpi eq, %jit3A_56, %eq3A_57 : i32
    %jit3A_59 = arith.constant 1 : i32
    %select_n3A_60 = arith.select %eq3A_58, %jit3A_59, %jit3A_56 : i32
    %rem3A_61 = vector.broadcast %select_n3A_60 : i32 to vector<256x512xi32>
    %rem3A_62 = arith.remsi %iota3A_55, %rem3A_61 : vector<256x512xi32>
    %ne3A_63 = arith.constant 0 : i32
    %ne3A_64 = vector.broadcast %ne3A_63 : i32 to vector<256x512xi32>
    %ne3A_65 = arith.cmpi ne, %rem3A_62, %ne3A_64 : vector<256x512xi32>
    %lt3A = arith.constant 0 : i32
    %lt3A_66 = vector.broadcast %lt3A : i32 to vector<256x512xi32>
    %lt3A_67 = arith.cmpi slt, %rem3A_62, %lt3A_66 : vector<256x512xi32>
    %lt3A_68 = arith.constant 0 : i32
    %lt3A_69 = arith.cmpi slt, %select_n3A_60, %lt3A_68 : i32
    %ne3A_70 = vector.broadcast %lt3A_69 : i1 to vector<256x512xi1>
    %ne3A_71 = vector.broadcast %ne3A_70 : vector<256x512xi1> to vector<256x512xi1>
    %ne3A_72 = arith.xori %lt3A_67, %ne3A_71 : vector<256x512xi1>
    %and3A_73 = arith.andi %ne3A_72, %ne3A_65 : vector<256x512xi1>
    %add3A = vector.broadcast %select_n3A_60 : i32 to vector<256x512xi32>
    %add3A_74 = arith.addi %rem3A_62, %add3A : vector<256x512xi32>
    %select_n3A_75 = arith.select %and3A_73, %add3A_74, %rem3A_62 : vector<256x512xi1>, vector<256x512xi32>
    %lt3A_76 = arith.constant 256 : i32
    %lt3A_77 = vector.broadcast %lt3A_76 : i32 to vector<256x512xi32>
    %lt3A_78 = arith.cmpi slt, %iota3A_55, %lt3A_77 : vector<256x512xi32>
    %le3A = arith.cmpi sle, %iota3A_54, %select_n3A_75 : vector<256x512xi32>
    %convert_element_type3A_79 = arith.extui %le3A : vector<256x512xi1> to vector<256x512xi32>
    %convert_element_type3A_80 = arith.sitofp %convert_element_type3A_79 : vector<256x512xi32> to vector<256x512xf32>
    %sub3A_81 = arith.constant 1 : i32
    %sub3A_82 = vector.broadcast %sub3A_81 : i32 to vector<256x512xi32>
    %sub3A_83 = arith.subi %iota3A_54, %sub3A_82 : vector<256x512xi32>
    %max3A = arith.constant 0 : i32
    %max3A_84 = vector.broadcast %max3A : i32 to vector<256x512xi32>
    %max3A_85 = arith.maxsi %sub3A_83, %max3A_84 : vector<256x512xi32>
    %ge3A = arith.cmpi sge, %max3A_85, %select_n3A_75 : vector<256x512xi32>
    %convert_element_type3A_86 = arith.extui %ge3A : vector<256x512xi1> to vector<256x512xi32>
    %convert_element_type3A_87 = arith.sitofp %convert_element_type3A_86 : vector<256x512xi32> to vector<256x512xf32>
    %select_n3A_88 = arith.select %lt3A_78, %convert_element_type3A_80, %convert_element_type3A_87 : vector<256x512xi1>, vector<256x512xf32>
    %dot_general3A_89 = arith.constant dense<0.000000e+00> : vector<1x512xf32>
    %dot_general3A_90 = tpu.matmul %slice3A_52, %select_n3A_88, %dot_general3A_89 {dimension_numbers = #tpu.dot_dimension_numbers<[1], [0], [0], [1], [0, 0, 1, 1], [], []>, precision = #tpu.contract_precision<fp32>, transpose_lhs_hint = false} : vector<1x256xf32>, vector<256x512xf32>, vector<1x512xf32> -> vector<1x512xf32>
    %dot_general3A_91 = arith.constant dense<0.000000e+00> : vector<1x512xf32>
    %dot_general3A_92 = tpu.matmul %slice3A_53, %select_n3A_88, %dot_general3A_91 {dimension_numbers = #tpu.dot_dimension_numbers<[1], [0], [0], [1], [0, 0, 1, 1], [], []>, precision = #tpu.contract_precision<fp32>, transpose_lhs_hint = false} : vector<1x256xf32>, vector<256x512xf32>, vector<1x512xf32> -> vector<1x512xf32>
    %slice3A_93 = vector.extract_strided_slice %dot_general3A_90 {offsets = [0, 0], sizes = [1, 256], strides = [1, 1]} : vector<1x512xf32> to vector<1x256xf32>
    %slice3A_94 = vector.extract_strided_slice %dot_general3A_90 {offsets = [0, 256], sizes = [1, 256], strides = [1, 1]} : vector<1x512xf32> to vector<1x256xf32>
    %slice3A_95 = vector.extract_strided_slice %dot_general3A_92 {offsets = [0, 0], sizes = [1, 256], strides = [1, 1]} : vector<1x512xf32> to vector<1x256xf32>
    %slice3A_96 = vector.extract_strided_slice %dot_general3A_92 {offsets = [0, 256], sizes = [1, 256], strides = [1, 1]} : vector<1x512xf32> to vector<1x256xf32>
    %add3A_97 = arith.addf %slice3A_94, %slice3A_93 : vector<1x256xf32>
    %add3A_98 = arith.constant 1.000000e-07 : f32
    %add3A_99 = vector.broadcast %add3A_98 : f32 to vector<1x256xf32>
    %add3A_100 = arith.addf %add3A_97, %add3A_99 : vector<1x256xf32>
    %div3A_101 = arith.divf %slice3A_94, %add3A_100 : vector<1x256xf32>
    %add3A_102 = arith.constant 1.000000e-07 : f32
    %add3A_103 = vector.broadcast %add3A_102 : f32 to vector<1x256xf32>
    %add3A_104 = arith.addf %slice3A_96, %add3A_103 : vector<1x256xf32>
    %add3A_105 = arith.addf %slice3A_96, %slice3A_95 : vector<1x256xf32>
    %add3A_106 = arith.constant 1.000000e-07 : f32
    %add3A_107 = vector.broadcast %add3A_106 : f32 to vector<1x256xf32>
    %add3A_108 = arith.addf %add3A_105, %add3A_107 : vector<1x256xf32>
    %div3A_109 = arith.divf %add3A_104, %add3A_108 : vector<1x256xf32>
    %concatenate3A_110 = tpu.concatenate %div3A_101, %div3A_109 in 0 : vector<1x256xf32>, vector<1x256xf32> -> vector<2x256xf32>
    %iota3A_111 = tpu.iota {dimensions = array<i32: 0>} : vector<256x256xi32>
    %iota3A_112 = tpu.iota {dimensions = array<i32: 1>} : vector<256x256xi32>
    %add3A_113 = arith.constant 1 : i32
    %add3A_114 = vector.broadcast %add3A_113 : i32 to vector<256x256xi32>
    %add3A_115 = arith.addi %iota3A_112, %add3A_114 : vector<256x256xi32>
    %eq3A_116 = arith.cmpi eq, %iota3A_111, %add3A_115 : vector<256x256xi32>
    %convert_element_type3A_117 = arith.extui %eq3A_116 : vector<256x256xi1> to vector<256x256xi32>
    %convert_element_type3A_118 = arith.sitofp %convert_element_type3A_117 : vector<256x256xi32> to vector<256x256xf32>
    %dot_general3A_119 = arith.constant dense<0.000000e+00> : vector<2x256xf32>
    %dot_general3A_120 = tpu.matmul %concatenate3A_110, %convert_element_type3A_118, %dot_general3A_119 {dimension_numbers = #tpu.dot_dimension_numbers<[1], [0], [0], [1], [0, 0, 1, 1], [], []>, precision = #tpu.contract_precision<fp32>, transpose_lhs_hint = false} : vector<2x256xf32>, vector<256x256xf32>, vector<2x256xf32> -> vector<2x256xf32>
    %slice3A_121 = vector.extract_strided_slice %dot_general3A_120 {offsets = [0, 0], sizes = [1, 256], strides = [1, 1]} : vector<2x256xf32> to vector<1x256xf32>
    %slice3A_122 = vector.extract_strided_slice %dot_general3A_120 {offsets = [1, 0], sizes = [1, 256], strides = [1, 1]} : vector<2x256xf32> to vector<1x256xf32>
    %iota3A_123 = tpu.iota {dimensions = array<i32: 1>} : vector<1x256xi32>
    %le3A_124 = arith.constant 198 : i32
    %le3A_125 = vector.broadcast %le3A_124 : i32 to vector<1x256xi32>
    %le3A_126 = arith.cmpi sle, %iota3A_123, %le3A_125 : vector<1x256xi32>
    %sub3A_127 = arith.subf %div3A_101, %slice3A_121 : vector<1x256xf32>
    %add3A_128 = arith.addf %div3A_109, %slice3A_122 : vector<1x256xf32>
    %mul3A = arith.mulf %sub3A_127, %add3A_128 : vector<1x256xf32>
    %mul3A_129 = arith.constant 5.000000e-01 : f32
    %mul3A_130 = vector.broadcast %mul3A_129 : f32 to vector<1x256xf32>
    %mul3A_131 = arith.mulf %mul3A, %mul3A_130 : vector<1x256xf32>
    %jit3A_132 = arith.constant 0.000000e+00 : f32
    %broadcast_in_dim3A_133 = vector.broadcast %jit3A_132 : f32 to vector<1x256xf32>
    %select_n3A_134 = arith.select %le3A_126, %mul3A_131, %broadcast_in_dim3A_133 : vector<1x256xi1>, vector<1x256xf32>
    %reduce_sum3A = arith.constant dense<0.000000e+00> : vector<1xf32>
    %reduce_sum3A_135 = vector.multi_reduction <add>, %select_n3A_134, %reduce_sum3A [1] : vector<1x256xf32> to vector<1xf32>
    %broadcast_in_dim3A_136 = vector.shape_cast %reduce_sum3A_135 : vector<1xf32> to vector<1x1xf32>
    %swap3A = arith.constant 0 : index
    %swap3A_137 = arith.constant 0 : index
    %swap3A_138 = vector.load %arg1[%swap3A, %swap3A_137] : memref<1x1xf32, #tpu.memory_space<vmem>>, vector<1x1xf32>
    tpu.vector_store %arg1[%swap3A, %swap3A_137], %broadcast_in_dim3A_136 {strides = array<i32>} : memref<1x1xf32, #tpu.memory_space<vmem>>, vector<1x1xf32>,
    return
  }
}

</mosaic_0001>

<sc_bundles>
// kernel: kernel.4.cloned.1.call-start
scs
__scs_entry_jumppad:
0x0: {  	(pc) =	sbr.rel $0x88, $3  }
0x1: {  	(tag) =	ssettag $0x0;
	lr =	simm.s32 $0x1  }
0x2: {  	[smem:$0x3F9F] =	sst lr;
	_ =	strace $0xD0000000  }
0x3: {  	_ = 	snop  }
0x4: {  	_ = 	snop  }
0x5: {  	_ = 	snop  }
0x6: {  	_ = 	snop  }
0x7: {  	_ = 	snop  }
__scs_overlays_trampoline_lowered:
0x8: {  	[smem:$0x3FAE] =	sst s0  }
0x9: {  	[smem:$0x3FAF] =	sst s1  }
0xa: {  	[smem:$0x3FB0] =	sst s2  }
0xb: {  	[smem:$0x3FB1] =	sst s3  }
0xc: {  	[smem:$0x3FB2] =	sst s4  }
0xd: {  	[smem:$0x3FB3] =	sst s5  }
0xe: {  	[smem:$0x3FB4] =	sst s6  }
0xf: {  	[smem:$0x3FB5] =	sst s7  }
0x10: {  	[smem:$0x3FB6] =	sst s8  }
0x11: {  	[smem:$0x3FB7] =	sst s9;
	s0 =	simm.s32 @!p0 $0x0  }
0x12: {  	s1 =	sld [smem:$0x3F9D];
	s0 =	simm.s32 @p0 $0x1  }
0x13: {  	[smem:$0x3FB8] =	sst s0;
	s0 =	simm.s32 @!p1 $0x0  }
0x14: {  	s2 =	sld [smem:$0x3F9C];
	s0 =	simm.s32 @p1 $0x1  }
0x15: {  	[smem:$0x3FB9] =	sst s0;
	s0 =	simm.s32 @!p2 $0x0  }
0x16: {  	s3 =	sld [smem:$0x3FDB];
	s0 =	simm.s32 @p2 $0x1  }
0x17: {  	s4 =	simm.s32 $0x1BF5;
	[smem:$0x3FBB] =	sst s0  }
0x18: {  	s0 =	sld [smem:$0x3F9E];
	_ =	swait.ge [sflag:s4], $0x0  }
0x19: {  	s7 =	sld [smem:$0x3F9F]  }
0x1a: {  	s8 =	sadd.s32 $0xFFFFE003, lr  }
0x1b: {  	s9 =	sadd.s32 $0xFFFFFEF7, lr;
	s5 =	simm.s32 $0xFFFFFFFF;
	p2 =	slt.u32 s8, $0xFFFFF086  }
0x1c: {  	p1 =	slt.u32 s9, $0xF7A;
	s5 =	simm.s32 @!p2 $0x0  }
0x1d: {  	s5 =	simm.s32 @p1 $0x1;
	p0 =	seq.s32 s7, s2  }
0x1e: {  	s7 =	smul.u32 @!p0 $0xF7A, s2;
	p2 =	seq.s32 @!p0 s5, $0x0  }
0x1f: {  	s9 =	smul.u32 $0xF7A, s1;
	s8 =	simm.s32 @!p0 $0x1BF5;
	p2 =	por !p2, p0  }
0x20: {  	[sflag:s8] =	ssyncset.s32 @!p0 $0xFFFFF086;
	s6 =	sadd.s32 @!p0 s3, s7;
	s7 =	simm.s32 @!p0 $0x108  }
0x21: {  	s3 =	sadd.s32 s3, s9;
	s6 =	sadd.s32 @!p0 $0x88, s6;
	s7 =	simm.s32 @p2 $0x1082  }
0x22: {  	[simem:s7], [sflag:s8] =	dma.local @!p0 [hbm:s6], $0xF7A  }
0x23: {  	s9 =	sor.u32 $0xD0000000, s2;
	s6 =	simm.s32 $0x108;
	_ =	swait.ge @!p0 [sflag:s8], $0x0  }
0x24: {  	s3 =	sadd.s32 $0x88, s3;
	s6 =	simm.s32 @!p1 $0x1082;
	[sflag:s4] =	ssyncset.s32 $0xFFFFF086  }
0x25: {  	[simem:s6], [sflag:s4] =	dma.local [hbm:s3], $0xF7A  }
0x26: {  	[smem:$0x3F9F] =	sst s1;
	(tag) =	ssettag s2;
	_ =	strace s9  }
0x27: {  	s1 =	sld [smem:$0x3FAF]  }
0x28: {  	s2 =	sld [smem:$0x3FB0]  }
0x29: {  	s4 =	sld [smem:$0x3FB2]  }
0x2a: {  	p0 =	seq.s32 s5, $0x0;
	s5 =	sld [smem:$0x3FB3]  }
0x2b: {  	s6 =	sld [smem:$0x3FB4]  }
0x2c: {  	s7 =	sld [smem:$0x3FB5]  }
0x2d: {  	s3 =	simm.s32 $0x108;
	s8 =	sld [smem:$0x3FB6]  }
0x2e: {  	s3 =	simm.s32 @!p0 $0x1082;
	s9 =	sld [smem:$0x3FB7]  }
0x2f: {  	lr =	sadd.s32 s0, s3;
	s0 =	sld [smem:$0x3FAE]  }
0x30: {  	s3 =	sld [smem:$0x3FB1]  }
0x31: {  	[smem:$0x3FBA] =	sst s10  }
0x32: {  	s10 =	sld [smem:$0x3FB8];
	_ =	sdelay $0x3  }
0x33: {  	p0 =	seq.s32 s10, $0x1;
	s10 =	sld [smem:$0x3FBA];
	_ =	sdelay $0x3  }
0x34: {  	[smem:$0x3FBA] =	sst s10  }
0x35: {  	s10 =	sld [smem:$0x3FB9];
	_ =	sdelay $0x3  }
0x36: {  	p1 =	seq.s32 s10, $0x1;
	s10 =	sld [smem:$0x3FBA];
	_ =	sdelay $0x3  }
0x37: {  	[smem:$0x3FBA] =	sst s10  }
0x38: {  	s10 =	sld [smem:$0x3FBB]  }
0x39: {  	_ = 	snop;
	(pc) =	sbr.ind lr, $3  }
0x3a: {  	_ = 	snop  }
0x3b: {  	_ = 	snop  }
0x3c: {  	p2 =	seq.s32 s10, $0x1;
	s10 =	sld [smem:$0x3FBA]  }
0x3d: {  	_ =	shalt  }
0x3e: {  	_ =	shalt  }
0x3f: {  	_ =	shalt  }
0x40: {  	_ =	shalt  }
0x41: {  	_ =	shalt  }
0x42: {  	_ =	shalt  }
0x43: {  	_ =	shalt  }
0x44: {  	_ =	shalt  }
0x45: {  	_ =	shalt  }
0x46: {  	_ =	shalt  }
0x47: {  	_ =	shalt  }
0x48: {  	_ =	shalt  }
0x49: {  	_ =	shalt  }
0x4a: {  	_ =	shalt  }
0x4b: {  	_ =	shalt  }
0x4c: {  	_ =	shalt  }
0x4d: {  	_ =	shalt  }
0x4e: {  	_ =	shalt  }
0x4f: {  	_ =	shalt  }
0x50: {  	_ =	shalt  }
0x51: {  	_ =	shalt  }
0x52: {  	_ =	shalt  }
0x53: {  	_ =	shalt  }
0x54: {  	_ =	shalt  }
0x55: {  	_ =	shalt  }
0x56: {  	_ =	shalt  }
0x57: {  	_ =	shalt  }
0x58: {  	_ =	shalt  }
0x59: {  	_ =	shalt  }
0x5a: {  	_ =	shalt  }
0x5b: {  	_ =	shalt  }
0x5c: {  	_ =	shalt  }
0x5d: {  	_ =	shalt  }
0x5e: {  	_ =	shalt  }
0x5f: {  	_ =	shalt  }
0x60: {  	_ =	shalt  }
0x61: {  	_ =	shalt  }
0x62: {  	_ =	shalt  }
0x63: {  	_ =	shalt  }
0x64: {  	_ =	shalt  }
0x65: {  	_ =	shalt  }
0x66: {  	_ =	shalt  }
0x67: {  	_ =	shalt  }
0x68: {  	_ =	shalt  }
0x69: {  	_ =	shalt  }
0x6a: {  	_ =	shalt  }
0x6b: {  	_ =	shalt  }
0x6c: {  	_ =	shalt  }
0x6d: {  	_ =	shalt  }
0x6e: {  	_ =	shalt  }
0x6f: {  	_ =	shalt  }
0x70: {  	_ =	shalt  }
0x71: {  	_ =	shalt  }
0x72: {  	_ =	shalt  }
0x73: {  	_ =	shalt  }
0x74: {  	_ =	shalt  }
0x75: {  	_ =	shalt  }
0x76: {  	_ =	shalt  }
0x77: {  	_ =	shalt  }
0x78: {  	_ =	shalt  }
0x79: {  	_ =	shalt  }
0x7a: {  	_ =	shalt  }
0x7b: {  	_ =	shalt  }
0x7c: {  	_ =	shalt  }
0x7d: {  	_ =	shalt  }
0x7e: {  	_ =	shalt  }
0x7f: {  	_ =	shalt  }
0x80: {  	_ =	shalt  }
0x81: {  	_ =	shalt  }
0x82: {  	_ =	shalt  }
0x83: {  	_ =	shalt  }
0x84: {  	_ =	shalt  }
0x85: {  	_ =	shalt  }
0x86: {  	_ =	shalt  }
0x87: {  	_ =	shalt  }
.Lfunc_end0:
.L_simem_size_0:
called_computation_lowered:
.L_overlay_start_0:
0x88: {  	s2 =	sld [smem:$0x3FD9]  }
0x89: {  	s3 =	sld [smem:$0x3FFE];
	_ =	sdelay $0x1  }
0x8a: {  	s1 =	srdreg.scid  }
0x8b: {  	s0 =	sand.u32 $0x1, s1  }
0x8c: {  	s17 =	sshll.u32 s0, $0xA;
	s2 =	sadd.s32 s3, s2  }
0x8d: {  	s2 =	sadd.s32 s2, s17  }
0x8e: {  	[smem:$0x3FC6] =	sst s2  }
0x8f: {  	_ = 	snop  }
0x90: {  	s2 =	sld [smem:$0x3FC9]  }
0x91: {  	s18 =	sld [smem:$0x3FC8];
	(tm) =	ssettm $0x1  }
0x92: {  	s4 =	sld [smem:$0x3FFB];
	_ =	sdelay $0x3  }
0x93: {  	_ =	strace s4  }
0x94: {  	s4 =	sld [smem:$0x3FFC];
	_ =	sdelay $0x3  }
0x95: {  	_ =	strace s4  }
0x96: {  	s4 =	sld [smem:$0x3FFD];
	_ =	sdelay $0x3  }
0x97: {  	_ =	strace s4  }
0x98: {  	_ =	strace $0x8FFFFFFF  }
0x99: {  	s19 =	sld [smem:$0x3FDB];
	_ =	sdelay $0x1  }
0x9a: {  	s5 =	simm.s32 $_scs_section_size  }
0x9b: {  	s6 =	simm.s32 $_size__tile_overlayer_lowered;
	s7 =	simm.s32 $_tile_overlayer_lowered  }
0x9c: {  	s22 =	simm.s32 $0x1BFF;
	s21 =	sshll.u32 s7, $0x1;
	s4 =	sadd.s32 s5, s19  }
0x9d: {  	s8 =	simm.s32 $0x0;
	s20 =	sshll.u32 s6, $0x1;
	s6 =	sadd.s32 s21, s4  }
0x9e: {  	[timem:s8], [sflag:s22] =	dma.local [hbm:s6], s20  }
0x9f: {  	_ =	swait.ge [sflag:s22], s20  }
0xa0: {  	s5 =	ssub.s32 $0x0, s20;
	[sflag:s22] =	ssyncset.done $0x0  }
0xa1: {  	[sflag:s22] =	ssyncadd.s32 s5;
	_ =	sdelay $0x1  }
0xa2: {  	s23 =	simm.s32 $0x1B8B  }
0xa3: {  	_ =	swait.ge [sflag:s23], $0x1  }
0xa4: {  	[sflag:s23] =	ssyncset.done $0x0  }
0xa5: {  	s25 =	simm.s32 $0x1B8E;
	s24 =	sld [smem:$0x3FFE];
	[sflag:s23] =	ssyncadd.s32 $0xFFFFFFFF  }
0xa6: {  	s26 =	simm.s32 $execute0_lowered;
	[smem:$0x3FD2] =	sst s25  }
0xa7: {  	s6 =	sshll.u32 s26, $0x1;
	_ =	strace $0x80000046;
	[dreg:$0x1] =	wrdreg $0xFFFFFFFF  }
0xa8: {  	s28 =	simm.s32 $_size_execute0_lowered;
	s4 =	sadd.s32 s4, s6;
	[dreg:$0x0] =	wrdreg $0x0  }
0xa9: {  	s6 =	sshll.u32 s28, $0x1;
	[dreg:$0x2] =	wrdreg s4  }
0xaa: {  	[dreg:$0x3] =	wrdreg s6  }
0xab: {  	[dreg:$0x4] =	wrdreg $0xC0  }
0xac: {  	_ =	task [dreg:s8], $0x5FFFF  }
0xad: {  	[dreg:$0x1] =	wrdreg $0xFFFFFFFF  }
0xae: {  	[dreg:$0x0] =	wrdreg $0x60  }
0xaf: {  	[dreg:$0x2] =	wrdreg s2  }
0xb0: {  	[dreg:$0x3] =	wrdreg s18  }
0xb1: {  	[dreg:$0x4] =	wrdreg s24  }
0xb2: {  	[dreg:$0x5] =	wrdreg $0x9  }
0xb3: {  	_ =	task.clear_ibuf [dreg:s8], $0x6FFFF;
	_ =	strace $0x90000046  }
0xb4: {  	s29 =	simm.s32 $0x9;
	_ =	strace $0x80000048  }
0xb5: {  	_ =	swait.ge [sflag:s29], $0x1  }
0xb6: {  	[sflag:s29] =	ssyncadd.s32 $0xFFFFFFFF  }
0xb7: {  	_ =	strace $0x90000048  }
0xb8: {  	_ =	sfence  }
0xb9: {  	s30 =	sld [smem:$0x0];
	_ =	sdelay $0x2  }
0xba: {  	s31 =	sshll.u32 s1, $0xD;
	s1 =	sshrl.u32 s1, $0x2  }
0xbb: {  	s3 =	sand.u32 $0x4000, s31;
	s1 =	sadd.s32 s1, s30  }
0xbc: {  	s0 =	sor.u32 s3, s0;
	s1 =	sshll.u32 s1, $0x11  }
0xbd: {  	s0 =	sor.u32 s1, s0  }
0xbe: {  	s0 =	sadd.s32 $0x8F2B, s0  }
0xbf: {  	[sflag:s0] =	ssyncadd.remote.s32 $0x1  }
0xc0: {  	_ =	sfence.sel $0xFFFF  }
0xc1: {  	[dreg:$0x0] =	wrdreg $0xFFFFFFFF;
	(pc) =	sbr.abs _section_cstart, $3  }
0xc2: {  	[dreg:$0x1] =	wrdreg $0xFFFFFFFF  }
0xc3: {  	_ =	task.clear_ibuf [dreg:s8], $0x2FFFF;
	_ =	strace $0x9FFFFFFF  }
0xc4: {  	(tm) =	ssettm $0x7FFFFFFF  }
0xc5: {  	_ =	shalt  }
tec
execute0_lowered:
.L_overlay_start_1:
0x0: {  	(tag) =	ssettag $0x1  }
0x1: {  	s1 =	rddreg [dreg:$0x0]  }
0x2: {  	s2 =	rddreg [dreg:$0x1]  }
0x3: {  	s6 =	rddreg [dreg:$0x2]  }
0x4: {  	s0 =	rddreg [dreg:$0x3];
	s4 =	simm.s32 $0x0;
	s3 =	stileid.u32  }
0x5: {  	s7 =	srdreg.scid;
	s13 =	simm.s32 $0x10000;
	s14 =	simm.s32 $0x5  }
0x6: {  	s15 =	simm.s32 $0x8000;
	s16 =	simm.s32 $0xC000;
	s17 =	simm.s32 $0x1  }
0x7: {  	s18 =	simm.s32 $0x2;
	s19 =	simm.s32 $0x10D00;
	s20 =	simm.s32 $0x3  }
0x8: {  	s21 =	simm.s32 $0x4;
	s22 =	simm.s32 $0x80;
	s23 =	simm.s32 $0x400  }
0x9: {  	s24 =	simm.s32 $0x0;
	[smem:$0x7FF] =	sst s4;
	s5 =	sadd.s32 $0x600, s6  }
0xa: {  	s8 =	sshll.u32 s3, $0xB;
	s7 =	sand.u32 $0x1, s7;
	s10 =	sshll.u32 s3, $0x1  }
0xb: {  	_ =	strace $0x80000047;
	s8 =	sand.u32 $0x6000, s8;
	s9 =	ssub.s32 $0x2, s7  }
0xc: {  	s7 =	sor.u32 s7, s10;
	s11 =	sadd.s32 s8, s6;
	s28 =	sshrl.u32 s9, $0x1  }
0xd: {  	s29 =	sshll.u32 s7, $0xE;
	s30 =	sshll.u32 s7, $0x4;
	s6 =	sshll.u32 s7, $0x11  }
0xe: {  	s12 =	ssub.s32 s9, s28;
	s7 =	sadd.s32 s1, s29;
	s31 =	sand.u32 $0x70, s30  }
0xf: {  	v0 =	vimm.f32 $0.0e+00;
	v1 =	vlaneseq.u32;
	s8 =	sadd.s32 s2, s29;
	s9 =	sor.u32 $0x8000, s6;
	s10 =	sadd.s32 s31, s11  }
0x10: {  	v2 =	vimm.s32 $0x0;
	v3 =	vimm.f32 $1.000000000e+00;
	v1 =	vor.u32 $0x4C000000, v1;
	s11 =	smax.u32 s12, $0x1;
	s12 =	simm.s32 $0x4000;
	s10 =	sadd.s32 $0x800, s10  }
.LBB2_1:
0x11: {  	[tilespmem:s4], [sflag:$0x1] =	stream.linear.gather [hbm4b:s7+s4], $0x4000, $0x38;
	[tilespmem:$0x12D00] =	vst v63  }
0x12: {  	_ = 	snop  }
0x13: {  	[tilespmem:s12], [sflag:$0x2] =	stream.linear.gather [hbm4b:s8+s4], $0x4000, $0x38;
	[tilespmem:$0x12D00] =	vst v63  }
0x14: {  	_ = 	snop  }
0x15: {  	[tilespmem:s13], [sflag:$0x5] =	stream.linear.gather [hbm4b:s5+s4], $0xD00, $0x38;
	[tilespmem:$0x12D00] =	vst v63  }
0x16: {  	_ =	swait.ge [sflag:s14], $0xD00  }
0x17: {  	[sflag:s14] =	ssyncset.done $0x0  }
0x18: {  	s25 =	simm.s32 $0x10D20;
	[sflag:s14] =	ssyncadd.s32 $0xFFFFF300  }
0x19: {  	[tilespmem:s25+$0xFFFFFFE0] =	vst v0  }
0x1a: {  	[tilespmem:s25+$0x10] =	vst v0  }
0x1b: {  	s26 =	simm.s32 $0x0;
	[tilespmem:s25+$0x0] =	vst v0  }
.LBB2_2:
0x1c: {  	s26 =	sadd.s32 $0x40, s26  }
0x1d: {  	[tilespmem:s25+$0xFFFFFFF0] =	vst v0;
	s25 =	sadd.s32 $0x40, s25;
	p0 =	slt.u32 s26, $0x1FC0  }
.Ltmp0:
0x1e: {  	[tilespmem:s25+$0xFFFFFFE0] =	vst v0;
	(pc) =	sbr.rel @p0 .LBB2_2-.Ltmp0, $3  }
0x1f: {  	_ =	sdelay $0x1  }
0x20: {  	[tilespmem:s25+$0x10] =	vst v0  }
0x21: {  	[tilespmem:s25+$0x0] =	vst v0  }
0x22: {  	[tilespmem:s25+$0xFFFFFFF0] =	vst v0;
	s25 =	simm.s32 $0x0  }
.LBB2_4:
0x23: {  	s26 =	sshll.u32 s25, $0xF  }
0x24: {  	s28 =	sor.u32 s26, s6  }
0x25: {  	s28 =	sshrl.u32 s28, $0x3  }
0x26: {  	s28 =	sor.u32 $0x800, s28  }
0x27: {  	s29 =	sadd.s32 s1, s28  }
0x28: {  	[tilespmem:s15], [sflag:$0x3] =	stream.linear.gather [hbm4b:s29+s4], $0x4000, $0x38;
	[tilespmem:$0x12D00] =	vst v63  }
0x29: {  	s28 =	sadd.s32 s2, s28  }
0x2a: {  	[tilespmem:s16], [sflag:$0x4] =	stream.linear.gather [hbm4b:s28+s4], $0x4000, $0x38;
	[tilespmem:$0x12D00] =	vst v63  }
0x2b: {  	_ =	swait.ge [sflag:s17], $0x4000  }
0x2c: {  	[sflag:s17] =	ssyncset.done $0x0  }
0x2d: {  	[sflag:s17] =	ssyncadd.s32 $0xFFFFC000  }
0x2e: {  	_ =	swait.ge [sflag:s18], $0x4000  }
0x2f: {  	[sflag:s18] =	ssyncset.done $0x0  }
0x30: {  	s28 =	simm.s32 $0x20;
	[sflag:s18] =	ssyncadd.s32 $0xFFFFC000  }
0x31: {  	v11 =	vld [tilespmem:s28+$0x10];
	_ =	sdelay $0x4  }
0x32: {  	v13 =	vld [tilespmem:s28+$0xFFFFFFE0];
	v4 =	vmul.f32 $1.990000000e+02, v11  }
0x33: {  	v15 =	vld [tilespmem:s28+$0x0]  }
0x34: {  	v14 =	vld [tilespmem:s28+$0xFFFFFFF0];
	v4 =	vadd.f32 $1.258291200e+07, v4;
	_ =	sdelay $0x1  }
0x35: {  	v4 =	vshll.u32 v4, $0x4  }
0x36: {  	v5 =	vmul.f32 $1.990000000e+02, v13;
	v12 =	vadd.s32 v1, v4  }
0x37: {  	s29 =	simm.s32 $0x60;
	v6 =	vmul.f32 $1.990000000e+02, v15  }
0x38: {  	v9 =	vld [tilespmem:s29+$0x10];
	v5 =	vadd.f32 $1.258291200e+07, v5;
	v4 =	vmul.f32 $1.990000000e+02, v14  }
0x39: {  	s28 =	simm.s32 $0x4020;
	v8 =	vld [tilespmem:s29+$0xFFFFFFF0];
	v7 =	vadd.f32 $1.258291200e+07, v6  }
0x3a: {  	v16 =	vld [tilespmem:s28+$0x10];
	v5 =	vshll.u32 v5, $0x4;
	v4 =	vadd.f32 $1.258291200e+07, v4  }
0x3b: {  	v6 =	vadd.s32 v1, v5;
	v5 =	vshll.u32 v7, $0x4;
	v17 =	vld.idx.msk [tilespmem:v12+s13+$0x0], $0xffff  }
0x3c: {  	v7 =	vld [tilespmem:s29+$0x0];
	v5 =	vadd.s32 v1, v5;
	v4 =	vshll.u32 v4, $0x4  }
0x3d: {  	v10 =	vld [tilespmem:s29+$0xFFFFFFE0];
	v4 =	vadd.s32 v1, v4  }
0x3e: {  	v23 =	vld [tilespmem:s28+$0xFFFFFFE0]  }
0x3f: {  	v24 =	vld [tilespmem:s28+$0xFFFFFFF0];
	v19 =	vmul.f32 $1.990000000e+02, v9;
	vm1 =	veq.f32 v16, $1.000000000e+00  }
0x40: {  	v21 =	vsel vm1, $0x1000, v2;
	v18 =	vld.idx.msk [tilespmem:v6+s13+$0x0], $0xffff;
	vm0 =	vlt.f32 v17, v11;
	v11 =	vmul.f32 $1.990000000e+02, v8  }
0x41: {  	v19 =	vadd.f32 $1.258291200e+07, v19;
	v22 =	vmul.f32 $1.990000000e+02, v7;
	v16 =	vld.idx.msk [tilespmem:v5+s13+$0x0], $0xffff;
	v17 =	vsel vm0, $0x10, v2  }
0x42: {  	v20 =	vld.idx.msk [tilespmem:v4+s13+$0x0], $0xffff;
	v17 =	vor.u32 v17, v21;
	v21 =	vmul.f32 $1.990000000e+02, v10;
	v11 =	vadd.f32 $1.258291200e+07, v11  }
0x43: {  	v25 =	vld [tilespmem:s28+$0x0];
	v22 =	vadd.f32 $1.258291200e+07, v22;
	v17 =	vadd.s32 v12, v17;
	v12 =	vshll.u32 v19, $0x4  }
0x44: {  	v19 =	vadd.f32 $1.258291200e+07, v21;
	v21 =	vshll.u32 v11, $0x4;
	v11 =	vadd.s32 v1, v12  }
0x45: {  	vm3 =	veq.f32 v23, $1.000000000e+00;
	vm1 =	veq.f32 v24, $1.000000000e+00;
	vm0 =	vlt.f32 v18, v13  }
0x46: {  	s28 =	simm.s32 $0x4060;
	vm4 =	vlt.f32 v16, v15;
	v12 =	vadd.s32 v1, v21;
	v21 =	vshll.u32 v22, $0x4  }
0x47: {  	v15 =	vld [tilespmem:s28+$0x10];
	vm2 =	vlt.f32 v20, v14;
	v20 =	vsel vm3, $0x1000, v2;
	v18 =	vshll.u32 v19, $0x4  }
0x48: {  	v13 =	vadd.s32 v1, v21;
	v19 =	vsel vm0, $0x10, v2;
	vm0 =	veq.f32 v25, $1.000000000e+00;
	[tilespmem:v17+s19+$0x0] =	vst.idx.add.f32.msk $0xffff, v3  }
0x49: {  	s30 =	simm.s32 $0xA0;
	s29 =	simm.s32 $0x40;
	v14 =	vadd.s32 v1, v18;
	v18 =	vsel vm4, $0x10, v2;
	v17 =	vsel vm2, $0x10, v2;
	v16 =	vld.idx.msk [tilespmem:v11+s13+$0x0], $0xffff  }
.LBB2_5:
0x4a: {  	v21 =	vld [tilespmem:s30+$0x10];
	s29 =	sadd.s32 $0x40, s29;
	v19 =	vor.u32 v19, v20;
	v20 =	vsel vm1, $0x1000, v2;
	v22 =	vsel vm0, $0x1000, v2  }
0x4b: {  	v23 =	vld [tilespmem:s30+$0xFFFFFFF0];
	p0 =	slt.u32 s29, $0x3FC0;
	v19 =	vadd.s32 v6, v19;
	v17 =	vor.u32 v17, v20;
	v18 =	vor.u32 v18, v22;
	v6 =	vmovc v14  }
0x4c: {  	v20 =	vld [tilespmem:s30+$0x0];
	v17 =	vadd.s32 v4, v17;
	v18 =	vadd.s32 v5, v18;
	v4 =	vmovc v12;
	v5 =	vmov v13  }
0x4d: {  	v22 =	vld [tilespmem:s30+$0xFFFFFFE0]  }
0x4e: {  	v14 =	vld.idx.msk [tilespmem:v14+s13+$0x0], $0xffff  }
0x4f: {  	vm1 =	veq.f32 v15, $1.000000000e+00;
	vm0 =	vlt.f32 v16, v9;
	v24 =	vmul.f32 $1.990000000e+02, v21;
	v25 =	vld.idx.msk [tilespmem:v12+s13+$0x0], $0xffff;
	v9 =	vmovc v21  }
0x50: {  	v16 =	vsel vm1, $0x1000, v2;
	v12 =	vmul.f32 $1.990000000e+02, v23;
	v15 =	vld.idx.msk [tilespmem:v13+s13+$0x0], $0xffff;
	v13 =	vsel vm0, $0x10, v2  }
0x51: {  	v21 =	vmul.f32 $1.990000000e+02, v20;
	v24 =	vadd.f32 $1.258291200e+07, v24;
	v26 =	vld [tilespmem:s28+$0xFFFFFFE0];
	v13 =	vor.u32 v13, v16  }
0x52: {  	v16 =	vmul.f32 $1.990000000e+02, v22;
	v12 =	vadd.f32 $1.258291200e+07, v12;
	v27 =	vld [tilespmem:s28+$0xFFFFFFF0];
	v28 =	vadd.s32 v11, v13  }
0x53: {  	v13 =	vadd.f32 $1.258291200e+07, v21;
	v11 =	vshll.u32 v24, $0x4;
	v21 =	vld [tilespmem:s28+$0x0]  }
0x54: {  	v16 =	vadd.f32 $1.258291200e+07, v16;
	v12 =	vshll.u32 v12, $0x4;
	v11 =	vadd.s32 v1, v11;
	[tilespmem:v19+s19+$0x0] =	vst.idx.add.f32.msk $0xffff, v3  }
.Ltmp1:
0x55: {  	vm0 =	vlt.f32 v14, v10;
	v12 =	vadd.s32 v1, v12;
	v13 =	vshll.u32 v13, $0x4;
	[tilespmem:v17+s19+$0x0] =	vst.idx.add.f32.msk $0xffff, v3;
	(pc) =	sbr.rel @p0 .LBB2_5-.Ltmp1, $4  }
0x56: {  	vm2 =	vlt.f32 v25, v8;
	v10 =	vshll.u32 v16, $0x4;
	v13 =	vadd.s32 v1, v13;
	[tilespmem:v18+s19+$0x0] =	vst.idx.add.f32.msk $0xffff, v3  }
0x57: {  	s28 =	sadd.s32 $0x40, s28;
	vm4 =	vlt.f32 v15, v7;
	vm3 =	veq.f32 v26, $1.000000000e+00;
	v14 =	vadd.s32 v1, v10;
	[tilespmem:v28+s19+$0x0] =	vst.idx.add.f32.msk $0xffff, v3  }
0x58: {  	v19 =	vsel vm0, $0x10, v2;
	v8 =	vmovc v23;
	v7 =	vmovc v20;
	vm1 =	veq.f32 v27, $1.000000000e+00;
	v15 =	vld [tilespmem:s28+$0x10];
	vm0 =	veq.f32 v21, $1.000000000e+00  }
0x59: {  	s30 =	sadd.s32 $0x40, s30;
	v17 =	vsel vm2, $0x10, v2;
	v18 =	vsel vm4, $0x10, v2;
	v20 =	vsel vm3, $0x1000, v2;
	v16 =	vld.idx.msk [tilespmem:v11+s13+$0x0], $0xffff;
	v10 =	vmovc v22  }
0x5a: {  	_ =	sdelay $0x3  }
0x5b: {  	v21 =	vld.idx.msk [tilespmem:v14+s13+$0x0], $0xffff  }
0x5c: {  	v22 =	vld.idx.msk [tilespmem:v12+s13+$0x0], $0xffff  }
0x5d: {  	v23 =	vld.idx.msk [tilespmem:v13+s13+$0x0], $0xffff  }
0x5e: {  	v19 =	vor.u32 v19, v20;
	v20 =	vsel vm1, $0x1000, v2;
	v24 =	vld [tilespmem:s28+$0xFFFFFFE0]  }
0x5f: {  	v25 =	vsel vm0, $0x1000, v2;
	v6 =	vadd.s32 v6, v19;
	v19 =	vld [tilespmem:s28+$0x0];
	v17 =	vor.u32 v17, v20  }
0x60: {  	v18 =	vor.u32 v18, v25;
	v4 =	vadd.s32 v4, v17;
	vm1 =	veq.f32 v15, $1.000000000e+00  }
0x61: {  	v5 =	vadd.s32 v5, v18;
	vm0 =	vlt.f32 v16, v9;
	v9 =	vld [tilespmem:s28+$0xFFFFFFF0];
	v16 =	vsel vm1, $0x1000, v2  }
0x62: {  	v15 =	vsel vm0, $0x10, v2;
	vm0 =	vlt.f32 v21, v10;
	vm1 =	vlt.f32 v22, v8  }
0x63: {  	vm2 =	veq.f32 v24, $1.000000000e+00;
	vm3 =	vlt.f32 v23, v7;
	v15 =	vor.u32 v15, v16  }
0x64: {  	v7 =	vsel vm0, $0x10, v2;
	vm4 =	veq.f32 v19, $1.000000000e+00;
	v8 =	vsel vm2, $0x1000, v2  }
0x65: {  	v10 =	vsel vm3, $0x10, v2;
	v11 =	vadd.s32 v11, v15;
	v7 =	vor.u32 v7, v8  }
0x66: {  	v15 =	vsel vm4, $0x1000, v2;
	v7 =	vadd.s32 v14, v7;
	vm0 =	veq.f32 v9, $1.000000000e+00  }
0x67: {  	[tilespmem:v6+s19+$0x0] =	vst.idx.add.f32.msk $0xffff, v3;
	v6 =	vor.u32 v10, v15;
	v9 =	vsel vm1, $0x10, v2;
	v8 =	vsel vm0, $0x1000, v2  }
0x68: {  	[tilespmem:v4+s19+$0x0] =	vst.idx.add.f32.msk $0xffff, v3;
	v4 =	vadd.s32 v13, v6;
	v8 =	vor.u32 v9, v8  }
0x69: {  	v8 =	vadd.s32 v12, v8  }
0x6a: {  	[tilespmem:v5+s19+$0x0] =	vst.idx.add.f32.msk $0xffff, v3  }
0x6b: {  	p0 =	seq.s32 s25, $0x3;
	[tilespmem:v11+s19+$0x0] =	vst.idx.add.f32.msk $0xffff, v3  }
0x6c: {  	s26 =	sadd.s32 @!p0 s26, s9;
	[tilespmem:v7+s19+$0x0] =	vst.idx.add.f32.msk $0xffff, v3  }
0x6d: {  	s26 =	sshrl.u32 @!p0 s26, $0x3;
	[tilespmem:v4+s19+$0x0] =	vst.idx.add.f32.msk $0xffff, v3  }
0x6e: {  	s29 =	simm.s32 @!p0 $0x0;
	s28 =	sadd.s32 @!p0 s1, s26;
	[tilespmem:v8+s19+$0x0] =	vst.idx.add.f32.msk $0xffff, v3  }
0x6f: {  	[tilespmem:s29], [sflag:$0x1] =	stream.linear.gather @!p0 [hbm4b:s28+s29], $0x4000, $0x38;
	[tilespmem:$0x12D00] =	vst v63  }
0x70: {  	s26 =	sadd.s32 @!p0 s2, s26;
	s28 =	simm.s32 @!p0 $0x4000  }
0x71: {  	[tilespmem:s28], [sflag:$0x2] =	stream.linear.gather @!p0 [hbm4b:s26+s29], $0x4000, $0x38;
	[tilespmem:$0x12D00] =	vst v63  }
0x72: {  	_ =	swait.ge [sflag:s20], $0x4000  }
0x73: {  	[sflag:s20] =	ssyncset.done $0x0  }
0x74: {  	[sflag:s20] =	ssyncadd.s32 $0xFFFFC000  }
0x75: {  	_ =	swait.ge [sflag:s21], $0x4000  }
0x76: {  	[sflag:s21] =	ssyncset.done $0x0  }
0x77: {  	s30 =	simm.s32 $0x8020;
	[sflag:s21] =	ssyncadd.s32 $0xFFFFC000  }
0x78: {  	v11 =	vld [tilespmem:s30+$0x10];
	_ =	sdelay $0x4  }
0x79: {  	v13 =	vld [tilespmem:s30+$0xFFFFFFE0];
	v4 =	vmul.f32 $1.990000000e+02, v11  }
0x7a: {  	v15 =	vld [tilespmem:s30+$0x0]  }
0x7b: {  	v14 =	vld [tilespmem:s30+$0xFFFFFFF0];
	v4 =	vadd.f32 $1.258291200e+07, v4;
	_ =	sdelay $0x1  }
0x7c: {  	v4 =	vshll.u32 v4, $0x4  }
0x7d: {  	v5 =	vmul.f32 $1.990000000e+02, v13;
	v12 =	vadd.s32 v1, v4  }
0x7e: {  	s31 =	simm.s32 $0xC020;
	v6 =	vmul.f32 $1.990000000e+02, v15  }
0x7f: {  	s28 =	simm.s32 $0x8060;
	v16 =	vld [tilespmem:s31+$0x10];
	v5 =	vadd.f32 $1.258291200e+07, v5;
	v4 =	vmul.f32 $1.990000000e+02, v14  }
0x80: {  	v9 =	vld [tilespmem:s28+$0x10];
	v7 =	vadd.f32 $1.258291200e+07, v6  }
0x81: {  	v8 =	vld [tilespmem:s28+$0xFFFFFFF0];
	v5 =	vshll.u32 v5, $0x4;
	v4 =	vadd.f32 $1.258291200e+07, v4  }
0x82: {  	v6 =	vadd.s32 v1, v5;
	v5 =	vshll.u32 v7, $0x4;
	v17 =	vld.idx.msk [tilespmem:v12+s13+$0x0], $0xffff  }
0x83: {  	v7 =	vld [tilespmem:s28+$0x0];
	v5 =	vadd.s32 v1, v5;
	v4 =	vshll.u32 v4, $0x4  }
0x84: {  	v10 =	vld [tilespmem:s28+$0xFFFFFFE0];
	v4 =	vadd.s32 v1, v4  }
0x85: {  	v23 =	vld [tilespmem:s31+$0xFFFFFFE0]  }
0x86: {  	v62 =	vld [tilespmem:s31+$0xFFFFFFF0];
	v19 =	vmul.f32 $1.990000000e+02, v9;
	vm1 =	veq.f32 v16, $1.000000000e+00  }
0x87: {  	v21 =	vsel vm1, $0x1000, v2;
	v18 =	vld.idx.msk [tilespmem:v6+s13+$0x0], $0xffff;
	vm0 =	vlt.f32 v17, v11;
	v11 =	vmul.f32 $1.990000000e+02, v8  }
0x88: {  	v19 =	vadd.f32 $1.258291200e+07, v19;
	v22 =	vmul.f32 $1.990000000e+02, v7;
	v16 =	vld.idx.msk [tilespmem:v5+s13+$0x0], $0xffff;
	v17 =	vsel vm0, $0x10, v2  }
0x89: {  	v20 =	vld.idx.msk [tilespmem:v4+s13+$0x0], $0xffff;
	v17 =	vor.u32 v17, v21;
	v21 =	vmul.f32 $1.990000000e+02, v10;
	v11 =	vadd.f32 $1.258291200e+07, v11  }
0x8a: {  	v63 =	vld [tilespmem:s31+$0x0];
	v22 =	vadd.f32 $1.258291200e+07, v22;
	v17 =	vadd.s32 v12, v17;
	v12 =	vshll.u32 v19, $0x4  }
0x8b: {  	v19 =	vadd.f32 $1.258291200e+07, v21;
	v21 =	vshll.u32 v11, $0x4;
	v11 =	vadd.s32 v1, v12  }
0x8c: {  	vm3 =	veq.f32 v23, $1.000000000e+00;
	vm1 =	veq.f32 v62, $1.000000000e+00;
	vm0 =	vlt.f32 v18, v13  }
0x8d: {  	s26 =	simm.s32 $0xC060;
	vm15 =	vlt.f32 v16, v15;
	v12 =	vadd.s32 v1, v21;
	v21 =	vshll.u32 v22, $0x4  }
0x8e: {  	v15 =	vld [tilespmem:s26+$0x10];
	vm2 =	vlt.f32 v20, v14;
	v20 =	vsel vm3, $0x1000, v2;
	v18 =	vshll.u32 v19, $0x4  }
0x8f: {  	v13 =	vadd.s32 v1, v21;
	v19 =	vsel vm0, $0x10, v2;
	vm0 =	veq.f32 v63, $1.000000000e+00;
	[tilespmem:v17+s19+$0x0] =	vst.idx.add.f32.msk $0xffff, v3  }
0x90: {  	s29 =	simm.s32 $0x80A0;
	s28 =	simm.s32 $0x40;
	v14 =	vadd.s32 v1, v18;
	v18 =	vsel vm15, $0x10, v2;
	v17 =	vsel vm2, $0x10, v2;
	v16 =	vld.idx.msk [tilespmem:v11+s13+$0x0], $0xffff  }
.LBB2_7:
0x91: {  	v21 =	vld [tilespmem:s29+$0x10];
	s28 =	sadd.s32 $0x40, s28;
	v19 =	vor.u32 v19, v20;
	v20 =	vsel vm1, $0x1000, v2;
	v22 =	vsel vm0, $0x1000, v2  }
0x92: {  	v23 =	vld [tilespmem:s29+$0xFFFFFFF0];
	p0 =	slt.u32 s28, $0x3FC0;
	v19 =	vadd.s32 v6, v19;
	v17 =	vor.u32 v17, v20;
	v18 =	vor.u32 v18, v22;
	v6 =	vmovc v14  }
0x93: {  	v20 =	vld [tilespmem:s29+$0x0];
	v17 =	vadd.s32 v4, v17;
	v18 =	vadd.s32 v5, v18;
	v4 =	vmovc v12;
	v5 =	vmov v13  }
0x94: {  	v22 =	vld [tilespmem:s29+$0xFFFFFFE0]  }
0x95: {  	v14 =	vld.idx.msk [tilespmem:v14+s13+$0x0], $0xffff  }
0x96: {  	vm1 =	veq.f32 v15, $1.000000000e+00;
	vm0 =	vlt.f32 v16, v9;
	v24 =	vmul.f32 $1.990000000e+02, v21;
	v25 =	vld.idx.msk [tilespmem:v12+s13+$0x0], $0xffff;
	v9 =	vmovc v21  }
0x97: {  	v16 =	vsel vm1, $0x1000, v2;
	v12 =	vmul.f32 $1.990000000e+02, v23;
	v15 =	vld.idx.msk [tilespmem:v13+s13+$0x0], $0xffff;
	v13 =	vsel vm0, $0x10, v2  }
0x98: {  	v21 =	vmul.f32 $1.990000000e+02, v20;
	v24 =	vadd.f32 $1.258291200e+07, v24;
	v26 =	vld [tilespmem:s26+$0xFFFFFFE0];
	v13 =	vor.u32 v13, v16  }
0x99: {  	v16 =	vmul.f32 $1.990000000e+02, v22;
	v12 =	vadd.f32 $1.258291200e+07, v12;
	v27 =	vld [tilespmem:s26+$0xFFFFFFF0];
	v28 =	vadd.s32 v11, v13  }
0x9a: {  	v13 =	vadd.f32 $1.258291200e+07, v21;
	v11 =	vshll.u32 v24, $0x4;
	v21 =	vld [tilespmem:s26+$0x0]  }
0x9b: {  	v16 =	vadd.f32 $1.258291200e+07, v16;
	v12 =	vshll.u32 v12, $0x4;
	v11 =	vadd.s32 v1, v11;
	[tilespmem:v19+s19+$0x0] =	vst.idx.add.f32.msk $0xffff, v3  }
.Ltmp2:
0x9c: {  	vm0 =	vlt.f32 v14, v10;
	v12 =	vadd.s32 v1, v12;
	v13 =	vshll.u32 v13, $0x4;
	[tilespmem:v17+s19+$0x0] =	vst.idx.add.f32.msk $0xffff, v3;
	(pc) =	sbr.rel @p0 .LBB2_7-.Ltmp2, $4  }
0x9d: {  	vm2 =	vlt.f32 v25, v8;
	v10 =	vshll.u32 v16, $0x4;
	v13 =	vadd.s32 v1, v13;
	[tilespmem:v18+s19+$0x0] =	vst.idx.add.f32.msk $0xffff, v3  }
0x9e: {  	s26 =	sadd.s32 $0x40, s26;
	vm4 =	vlt.f32 v15, v7;
	vm3 =	veq.f32 v26, $1.000000000e+00;
	v14 =	vadd.s32 v1, v10;
	[tilespmem:v28+s19+$0x0] =	vst.idx.add.f32.msk $0xffff, v3  }
0x9f: {  	v19 =	vsel vm0, $0x10, v2;
	v8 =	vmovc v23;
	v7 =	vmovc v20;
	vm1 =	veq.f32 v27, $1.000000000e+00;
	v15 =	vld [tilespmem:s26+$0x10];
	vm0 =	veq.f32 v21, $1.000000000e+00  }
0xa0: {  	s29 =	sadd.s32 $0x40, s29;
	v17 =	vsel vm2, $0x10, v2;
	v18 =	vsel vm4, $0x10, v2;
	v20 =	vsel vm3, $0x1000, v2;
	v16 =	vld.idx.msk [tilespmem:v11+s13+$0x0], $0xffff;
	v10 =	vmovc v22  }
0xa1: {  	_ =	sdelay $0x3  }
0xa2: {  	v21 =	vld.idx.msk [tilespmem:v14+s13+$0x0], $0xffff  }
0xa3: {  	v22 =	vld.idx.msk [tilespmem:v12+s13+$0x0], $0xffff  }
0xa4: {  	v23 =	vld.idx.msk [tilespmem:v13+s13+$0x0], $0xffff  }
0xa5: {  	v24 =	vld [tilespmem:s26+$0xFFFFFFE0]  }
0xa6: {  	v19 =	vor.u32 v19, v20;
	v52 =	vsel vm1, $0x1000, v2;
	v53 =	vld [tilespmem:s26+$0xFFFFFFF0]  }
0xa7: {  	v25 =	vsel vm0, $0x1000, v2;
	v56 =	vld [tilespmem:s26+$0x0];
	v6 =	vadd.s32 v6, v19;
	v17 =	vor.u32 v17, v52  }
0xa8: {  	v18 =	vor.u32 v18, v25;
	v4 =	vadd.s32 v4, v17;
	vm12 =	veq.f32 v15, $1.000000000e+00  }
0xa9: {  	v5 =	vadd.s32 v5, v18;
	vm11 =	vlt.f32 v16, v9;
	v55 =	vsel vm12, $0x1000, v2  }
0xaa: {  	v54 =	vsel vm11, $0x10, v2;
	vm13 =	vlt.f32 v21, v10;
	vm14 =	vlt.f32 v22, v8  }
0xab: {  	vm2 =	veq.f32 v24, $1.000000000e+00;
	vm3 =	vlt.f32 v23, v7;
	vm15 =	veq.f32 v53, $1.000000000e+00  }
0xac: {  	vm4 =	veq.f32 v56, $1.000000000e+00;
	v15 =	vor.u32 v54, v55;
	v57 =	vsel vm13, $0x10, v2  }
0xad: {  	v58 =	vsel vm2, $0x1000, v2;
	v59 =	vsel vm14, $0x10, v2;
	v60 =	vsel vm3, $0x10, v2  }
0xae: {  	v61 =	vsel vm15, $0x1000, v2;
	v11 =	vadd.s32 v11, v15;
	v7 =	vor.u32 v57, v58  }
0xaf: {  	v62 =	vsel vm4, $0x1000, v2;
	v8 =	vor.u32 v59, v61;
	v7 =	vadd.s32 v14, v7  }
0xb0: {  	s25 =	sadd.s32 $0x1, s25;
	[tilespmem:v6+s19+$0x0] =	vst.idx.add.f32.msk $0xffff, v3;
	v63 =	vor.u32 v60, v62;
	v8 =	vadd.s32 v12, v8  }
0xb1: {  	p0 =	sne.s32 s25, $0x4;
	[tilespmem:v4+s19+$0x0] =	vst.idx.add.f32.msk $0xffff, v3;
	v4 =	vadd.s32 v13, v63  }
.Ltmp3:
0xb2: {  	[tilespmem:v5+s19+$0x0] =	vst.idx.add.f32.msk $0xffff, v3;
	(pc) =	sbr.rel @p0 .LBB2_4-.Ltmp3, $4  }
0xb3: {  	[tilespmem:v11+s19+$0x0] =	vst.idx.add.f32.msk $0xffff, v3  }
0xb4: {  	[tilespmem:v7+s19+$0x0] =	vst.idx.add.f32.msk $0xffff, v3  }
0xb5: {  	[tilespmem:v8+s19+$0x0] =	vst.idx.add.f32.msk $0xffff, v3  }
0xb6: {  	[tilespmem:v4+s19+$0x0] =	vst.idx.add.f32.msk $0xffff, v3  }
0xb7: {  	s24 =	sadd.s32 $0x1, s24  }
0xb8: {  	p0 =	sne.s32 s24, s11  }
.Ltmp4:
0xb9: {  	_ = 	snop;
	(pc) =	sbr.rel @p0 .LBB2_1-.Ltmp4, $4  }
0xba: {  	[hbm4b:s10+s22] =	stream.strided.scatter [tilespmem:s19], [sflag:$0x5], $0x2000, s23, s22, $0x38;
	[tilespmem:$0x12D00] =	vst v63  }
0xbb: {  	_ =	swait.ge [sflag:s14], $0x2000  }
0xbc: {  	[sflag:s14] =	ssyncset.done $0x0  }
0xbd: {  	[sflag:s14] =	ssyncadd.s32 $0xFFFFE000  }
0xbe: {  	_ =	sfence.sel $0x180000  }
0xbf: {  	[bflag:$0x0] =	sbarrier.arrive $0xFFFF  }
0xc0: {  	p0 =	sne.s32 s3, $0x0;
	_ =	strace $0x90000047  }
0xc1: {  	s0 =	sadd.s32 @!p0 $0x100000, s0;
	[bflag:$0x2] =	sbarrier.arrive $0xFFFF  }
0xc2: {  	[sflag:s0] =	ssyncadd.tile.s32 @!p0 $0x1;
	_ =	shalt  }
.Lfunc_end2:
_tile_overlayer_lowered:
.L_overlay_start_2:
0xc3: {  	(tag) =	ssettag $0x2  }
0xc4: {  	s0 =	rddreg [dreg:$0x0];
	s2 =	stileid.u32  }
0xc5: {  	s1 =	rddreg [dreg:$0x1];
	p0 =	sne.s32 s2, $0x0  }
0xc6: {  	s3 =	rddreg [dreg:$0x2];
	[bflag:$0x3] =	sbarrier.arrive $0xFFFF;
	s2 =	simm.s32 @!p0 $0x1C05  }
0xc7: {  	[timem:s3], [sflag:s2] =	dma.local @!p0 [hbm:s0], s1  }
0xc8: {  	s0 =	simm.s32 @!p0 $0x5  }
0xc9: {  	_ =	swait.ge @!p0 [sflag:s0], s1  }
0xca: {  	s1 =	ssub.s32 @!p0 $0x0, s1;
	[sflag:s0] =	ssyncset.done @!p0 $0x0  }
0xcb: {  	[sflag:s0] =	ssyncadd.s32 @!p0 s1  }
0xcc: {  	[bflag:$0x3] =	sbarrier.arrive $0xFFFF  }
0xcd: {  	_ =	shalt  }

</sc_bundles>
